<compile_context>
chip_gen: v7x
topology: tpu7x:2x2x1
jax: 0.10.2.dev20260603
libtpu: 0.0.44.dev20260713+nightly
codegen_flags: <defaults>
</compile_context>

<pallas_src>
import functools

import jax
import jax.numpy as jnp
from jax import lax
from jax.experimental import pallas as pl
from jax.experimental.pallas import tpu as pltpu
from jax.experimental.pallas import tpu_sc as plsc

_VOCAB = 10
_DIM = 4
_LANES = 16
_NC = 2
_NS = 16
_NW = _NC * _NS


def _body(emb_hbm, fc_hbm, w1_hbm, w2_hbm, out_hbm,
          emb_v, fc_v, s1_v, s2_v, w1_v, w2_v, o_v, chunk):
    wid = lax.axis_index("s") * _NC + lax.axis_index("c")
    base = wid * chunk

    pltpu.sync_copy(emb_hbm, emb_v)
    pltpu.sync_copy(fc_hbm, fc_v)
    pltpu.sync_copy(w1_hbm.at[pl.ds(base, chunk)], w1_v)
    pltpu.sync_copy(w2_hbm.at[pl.ds(base, chunk)], w2_v)

    lanes4 = lax.iota(jnp.int32, _LANES) * _DIM
    fcv = fc_v[...]
    s1 = jnp.zeros((_LANES,), jnp.float32)
    s2 = jnp.zeros((_LANES,), jnp.float32)
    for d in range(_DIM):
        col = plsc.load_gather(emb_v, [lanes4 + d])
        s1 = s1 + col * fcv[d]
        s2 = s2 + col * fcv[_DIM + d]
    bias = fcv[2 * _DIM]
    s1_v[...] = s1
    s2_v[...] = s2

    for j in range(chunk // _LANES):
        sl = pl.ds(j * _LANES, _LANES)
        a = (plsc.load_gather(s1_v, [w1_v[sl]])
             + plsc.load_gather(s2_v, [w2_v[sl]]) + bias)
        o_v[sl] = 1.0 / (1.0 + jnp.exp(-a))

    pltpu.sync_copy(o_v, out_hbm.at[pl.ds(base, chunk)])


def kernel(w1, w2, embedding, fc_w, fc_b):
    batch = w1.shape[0]
    chunk = batch // _NW

    emb_flat = jnp.pad(embedding, ((0, _LANES - _VOCAB), (0, 0))).reshape(-1)
    fc_pack = jnp.zeros((_LANES,), jnp.float32)
    fc_pack = fc_pack.at[: 2 * _DIM].set(fc_w[0])
    fc_pack = fc_pack.at[2 * _DIM].set(fc_b[0])

    mesh = plsc.VectorSubcoreMesh(
        core_axis_name="c", subcore_axis_name="s",
        num_cores=_NC, num_subcores=_NS)
    run = pl.kernel(
        functools.partial(_body, chunk=chunk),
        out_type=jax.ShapeDtypeStruct((batch,), jnp.float32),
        mesh=mesh,
        compiler_params=pltpu.CompilerParams(needs_layout_passes=False),
        scratch_types=[
            pltpu.VMEM((_LANES * _DIM,), jnp.float32),
            pltpu.VMEM((_LANES,), jnp.float32),
            pltpu.VMEM((_LANES,), jnp.float32),
            pltpu.VMEM((_LANES,), jnp.float32),
            pltpu.VMEM((chunk,), jnp.int32),
            pltpu.VMEM((chunk,), jnp.int32),
            pltpu.VMEM((chunk,), jnp.float32),
        ],
    )
    return run(emb_flat, fc_pack, w1, w2)

# --- scband reference (transcript-rebuilt; emitter-appended) ---
"""Pipeline reference for scband-similarity-model-31499290148926 (READ-ONLY COPY).

The authoritative reference and input builder live on the scoring server;
editing this copy changes nothing except your own understanding.
"""

import jax, jax.numpy as jnp
import numpy as np

VOCAB_SIZE = 10
EMBED_DIM = 4
BATCH = 16384

def setup_inputs(seed: int = 0) -> dict:
    key = jax.random.key(seed)
    k1, k2, k3, k4, k5 = jax.random.split(key, 5)
    w1 = jax.random.randint(k1, (BATCH,), 0, VOCAB_SIZE, dtype=jnp.int64 if jax.config.jax_enable_x64 else jnp.int32).astype(jnp.int32)
    w2 = jax.random.randint(k2, (BATCH,), 0, VOCAB_SIZE, dtype=jnp.int64 if jax.config.jax_enable_x64 else jnp.int32).astype(jnp.int32)
    embedding = jax.random.normal(k3, (VOCAB_SIZE, EMBED_DIM), dtype=jnp.float32)
    fc_w = jax.random.normal(k4, (1, EMBED_DIM * 2), dtype=jnp.float32) * 0.1
    fc_b = jax.random.normal(k5, (1,), dtype=jnp.float32) * 0.1
    return {"w1": w1, "w2": w2, "embedding": embedding, "fc_w": fc_w, "fc_b": fc_b}

def reference(w1, w2, embedding, fc_w, fc_b):
    # e1 = self.embedding(w1); e2 = self.embedding(w2)
    e1 = jnp.take(embedding, w1, axis=0)
    e2 = jnp.take(embedding, w2, axis=0)
    # x = torch.cat([e1, e2], dim=-1)
    x = jnp.concatenate([e1, e2], axis=-1)
    # sigmoid(fc(x)).squeeze()
    out = jax.nn.sigmoid(x @ fc_w.T + fc_b)
    return jnp.squeeze(out, axis=-1)

if __name__ == "__main__":
    import jax
    _d = setup_inputs()
    print(jax.jit(kernel)(*tuple(_d.values())))

</pallas_src>

<mosaic_0001>
#map = affine_map<(d0, d1) -> (0)>
module attributes {stable_mosaic.version = 14 : i64} {
  func.func @_body(%arg0: i32, %arg1: i32, %arg2: memref<64xf32, #tpu.memory_space<hbm>>, %arg3: memref<16xf32, #tpu.memory_space<hbm>>, %arg4: memref<16384xi32, #tpu.memory_space<hbm>>, %arg5: memref<16384xi32, #tpu.memory_space<hbm>>, %arg6: memref<16384xf32, #tpu.memory_space<hbm>>, %arg7: memref<64xf32, #tpu.memory_space<vmem>>, %arg8: memref<16xf32, #tpu.memory_space<vmem>>, %arg9: memref<16xf32, #tpu.memory_space<vmem>>, %arg10: memref<16xf32, #tpu.memory_space<vmem>>, %arg11: memref<512xi32, #tpu.memory_space<vmem>>, %arg12: memref<512xi32, #tpu.memory_space<vmem>>, %arg13: memref<512xf32, #tpu.memory_space<vmem>>) attributes {dimension_semantics = [#tpu.dimension_semantics<core_parallel>, #tpu.dimension_semantics<subcore_parallel>], iteration_bounds = array<i64: 2, 16>, scalar_prefetch = 0 : i64, scratch_operands = 7 : i64, tpu.core_type = #tpu.core_type<sc_vector_subcore>, window_params = [{transform_indices = #map}, {transform_indices = #map}, {transform_indices = #map}, {transform_indices = #map}, {transform_indices = #map}]} {
    %mul3A = arith.constant 2 : i32
    %mul3A_0 = arith.muli %arg1, %mul3A : i32
    %add3A = arith.addi %mul3A_0, %arg0 : i32
    %mul3A_1 = arith.constant 512 : i32
    %mul3A_2 = arith.muli %add3A, %mul3A_1 : i32
    "tpu.region"() ({
      %run_scoped3A = tpu.sem_alloc : memref<!tpu.dma_semaphore, #tpu.memory_space<semaphore_mem>>
      tpu.enqueue_dma source(%arg2 : memref<64xf32, #tpu.memory_space<hbm>>) target(%arg7 : memref<64xf32, #tpu.memory_space<vmem>>) target_semaphore(%run_scoped3A : memref<!tpu.dma_semaphore, #tpu.memory_space<semaphore_mem>>)
      tpu.wait_dma2 semaphore(%run_scoped3A : memref<!tpu.dma_semaphore, #tpu.memory_space<semaphore_mem>>) src(%arg2 : memref<64xf32, #tpu.memory_space<hbm>>) dst(%arg7 : memref<64xf32, #tpu.memory_space<vmem>>)
      tpu.yield
    }) : () -> ()
    "tpu.region"() ({
      %run_scoped3A = tpu.sem_alloc : memref<!tpu.dma_semaphore, #tpu.memory_space<semaphore_mem>>
      tpu.enqueue_dma source(%arg3 : memref<16xf32, #tpu.memory_space<hbm>>) target(%arg8 : memref<16xf32, #tpu.memory_space<vmem>>) target_semaphore(%run_scoped3A : memref<!tpu.dma_semaphore, #tpu.memory_space<semaphore_mem>>)
      tpu.wait_dma2 semaphore(%run_scoped3A : memref<!tpu.dma_semaphore, #tpu.memory_space<semaphore_mem>>) src(%arg3 : memref<16xf32, #tpu.memory_space<hbm>>) dst(%arg8 : memref<16xf32, #tpu.memory_space<vmem>>)
      tpu.yield
    }) : () -> ()
    "tpu.region"() ({
      %run_scoped3A = tpu.sem_alloc : memref<!tpu.dma_semaphore, #tpu.memory_space<semaphore_mem>>
      %dma_start3A = tpu.memref_slice %arg4[%mul3A_2] : memref<16384xi32, #tpu.memory_space<hbm>> -> memref<512xi32, #tpu.memory_space<hbm>>
      %dma_start3A_737 = tpu.memref_slice %arg4[%mul3A_2] : memref<16384xi32, #tpu.memory_space<hbm>> -> memref<512xi32, #tpu.memory_space<hbm>>
      tpu.enqueue_dma source(%dma_start3A_737 : memref<512xi32, #tpu.memory_space<hbm>>) target(%arg11 : memref<512xi32, #tpu.memory_space<vmem>>) target_semaphore(%run_scoped3A : memref<!tpu.dma_semaphore, #tpu.memory_space<semaphore_mem>>)
      %dma_wait3A = tpu.memref_slice %arg4[%mul3A_2] : memref<16384xi32, #tpu.memory_space<hbm>> -> memref<512xi32, #tpu.memory_space<hbm>>
      %dma_wait3A_738 = tpu.memref_slice %arg4[%mul3A_2] : memref<16384xi32, #tpu.memory_space<hbm>> -> memref<512xi32, #tpu.memory_space<hbm>>
      tpu.wait_dma2 semaphore(%run_scoped3A : memref<!tpu.dma_semaphore, #tpu.memory_space<semaphore_mem>>) src(%dma_wait3A_738 : memref<512xi32, #tpu.memory_space<hbm>>) dst(%arg11 : memref<512xi32, #tpu.memory_space<vmem>>)
      tpu.yield
    }) : () -> ()
    "tpu.region"() ({
      %run_scoped3A = tpu.sem_alloc : memref<!tpu.dma_semaphore, #tpu.memory_space<semaphore_mem>>
      %dma_start3A = tpu.memref_slice %arg5[%mul3A_2] : memref<16384xi32, #tpu.memory_space<hbm>> -> memref<512xi32, #tpu.memory_space<hbm>>
      %dma_start3A_737 = tpu.memref_slice %arg5[%mul3A_2] : memref<16384xi32, #tpu.memory_space<hbm>> -> memref<512xi32, #tpu.memory_space<hbm>>
      tpu.enqueue_dma source(%dma_start3A_737 : memref<512xi32, #tpu.memory_space<hbm>>) target(%arg12 : memref<512xi32, #tpu.memory_space<vmem>>) target_semaphore(%run_scoped3A : memref<!tpu.dma_semaphore, #tpu.memory_space<semaphore_mem>>)
      %dma_wait3A = tpu.memref_slice %arg5[%mul3A_2] : memref<16384xi32, #tpu.memory_space<hbm>> -> memref<512xi32, #tpu.memory_space<hbm>>
      %dma_wait3A_738 = tpu.memref_slice %arg5[%mul3A_2] : memref<16384xi32, #tpu.memory_space<hbm>> -> memref<512xi32, #tpu.memory_space<hbm>>
      tpu.wait_dma2 semaphore(%run_scoped3A : memref<!tpu.dma_semaphore, #tpu.memory_space<semaphore_mem>>) src(%dma_wait3A_738 : memref<512xi32, #tpu.memory_space<hbm>>) dst(%arg12 : memref<512xi32, #tpu.memory_space<vmem>>)
      tpu.yield
    }) : () -> ()
    %iota3A = tpu.iota {dimensions = array<i32: 0>} : vector<16xi32>
    %mul3A_3 = arith.constant 4 : i32
    %mul3A_4 = vector.broadcast %mul3A_3 : i32 to vector<16xi32>
    %mul3A_5 = arith.muli %iota3A, %mul3A_4 : vector<16xi32>
    %get3A = arith.constant 0 : index
    %get3A_6 = tpu.vector_load %arg8[%get3A] {strides = array<i32>} : memref<16xf32, #tpu.memory_space<vmem>>, vector<16xf32>,
    %broadcast_in_dim3A = arith.constant 0.000000e+00 : f32
    %broadcast_in_dim3A_7 = vector.broadcast %broadcast_in_dim3A : f32 to vector<16xf32>
    %broadcast_in_dim3A_8 = arith.constant 0.000000e+00 : f32
    %broadcast_in_dim3A_9 = vector.broadcast %broadcast_in_dim3A_8 : f32 to vector<16xf32>
    %add3A_10 = arith.constant 0 : i32
    %add3A_11 = vector.broadcast %add3A_10 : i32 to vector<16xi32>
    %add3A_12 = arith.addi %mul3A_5, %add3A_11 : vector<16xi32>
    %gather3A = tpu.vector_load_idx %arg7[%add3A_12] : memref<64xf32, #tpu.memory_space<vmem>>[vector<16xi32>], vector<16xf32>,
    %slice3A = vector.extract_strided_slice %get3A_6 {offsets = [0], sizes = [1], strides = [1]} : vector<16xf32> to vector<1xf32>
    %squeeze3A = vector.extract %slice3A[0] : f32 from vector<1xf32>
    %mul3A_13 = vector.broadcast %squeeze3A : f32 to vector<16xf32>
    %mul3A_14 = arith.mulf %gather3A, %mul3A_13 : vector<16xf32>
    %add3A_15 = arith.addf %broadcast_in_dim3A_7, %mul3A_14 : vector<16xf32>
    %slice3A_16 = vector.extract_strided_slice %get3A_6 {offsets = [4], sizes = [1], strides = [1]} : vector<16xf32> to vector<1xf32>
    %squeeze3A_17 = vector.extract %slice3A_16[0] : f32 from vector<1xf32>
    %mul3A_18 = vector.broadcast %squeeze3A_17 : f32 to vector<16xf32>
    %mul3A_19 = arith.mulf %gather3A, %mul3A_18 : vector<16xf32>
    %add3A_20 = arith.addf %broadcast_in_dim3A_9, %mul3A_19 : vector<16xf32>
    %add3A_21 = arith.constant 1 : i32
    %add3A_22 = vector.broadcast %add3A_21 : i32 to vector<16xi32>
    %add3A_23 = arith.addi %mul3A_5, %add3A_22 : vector<16xi32>
    %gather3A_24 = tpu.vector_load_idx %arg7[%add3A_23] : memref<64xf32, #tpu.memory_space<vmem>>[vector<16xi32>], vector<16xf32>,
    %slice3A_25 = vector.extract_strided_slice %get3A_6 {offsets = [1], sizes = [1], strides = [1]} : vector<16xf32> to vector<1xf32>
    %squeeze3A_26 = vector.extract %slice3A_25[0] : f32 from vector<1xf32>
    %mul3A_27 = vector.broadcast %squeeze3A_26 : f32 to vector<16xf32>
    %mul3A_28 = arith.mulf %gather3A_24, %mul3A_27 : vector<16xf32>
    %add3A_29 = arith.addf %add3A_15, %mul3A_28 : vector<16xf32>
    %slice3A_30 = vector.extract_strided_slice %get3A_6 {offsets = [5], sizes = [1], strides = [1]} : vector<16xf32> to vector<1xf32>
    %squeeze3A_31 = vector.extract %slice3A_30[0] : f32 from vector<1xf32>
    %mul3A_32 = vector.broadcast %squeeze3A_31 : f32 to vector<16xf32>
    %mul3A_33 = arith.mulf %gather3A_24, %mul3A_32 : vector<16xf32>
    %add3A_34 = arith.addf %add3A_20, %mul3A_33 : vector<16xf32>
    %add3A_35 = arith.constant 2 : i32
    %add3A_36 = vector.broadcast %add3A_35 : i32 to vector<16xi32>
    %add3A_37 = arith.addi %mul3A_5, %add3A_36 : vector<16xi32>
    %gather3A_38 = tpu.vector_load_idx %arg7[%add3A_37] : memref<64xf32, #tpu.memory_space<vmem>>[vector<16xi32>], vector<16xf32>,
    %slice3A_39 = vector.extract_strided_slice %get3A_6 {offsets = [2], sizes = [1], strides = [1]} : vector<16xf32> to vector<1xf32>
    %squeeze3A_40 = vector.extract %slice3A_39[0] : f32 from vector<1xf32>
    %mul3A_41 = vector.broadcast %squeeze3A_40 : f32 to vector<16xf32>
    %mul3A_42 = arith.mulf %gather3A_38, %mul3A_41 : vector<16xf32>
    %add3A_43 = arith.addf %add3A_29, %mul3A_42 : vector<16xf32>
    %slice3A_44 = vector.extract_strided_slice %get3A_6 {offsets = [6], sizes = [1], strides = [1]} : vector<16xf32> to vector<1xf32>
    %squeeze3A_45 = vector.extract %slice3A_44[0] : f32 from vector<1xf32>
    %mul3A_46 = vector.broadcast %squeeze3A_45 : f32 to vector<16xf32>
    %mul3A_47 = arith.mulf %gather3A_38, %mul3A_46 : vector<16xf32>
    %add3A_48 = arith.addf %add3A_34, %mul3A_47 : vector<16xf32>
    %add3A_49 = arith.constant 3 : i32
    %add3A_50 = vector.broadcast %add3A_49 : i32 to vector<16xi32>
    %add3A_51 = arith.addi %mul3A_5, %add3A_50 : vector<16xi32>
    %gather3A_52 = tpu.vector_load_idx %arg7[%add3A_51] : memref<64xf32, #tpu.memory_space<vmem>>[vector<16xi32>], vector<16xf32>,
    %slice3A_53 = vector.extract_strided_slice %get3A_6 {offsets = [3], sizes = [1], strides = [1]} : vector<16xf32> to vector<1xf32>
    %squeeze3A_54 = vector.extract %slice3A_53[0] : f32 from vector<1xf32>
    %mul3A_55 = vector.broadcast %squeeze3A_54 : f32 to vector<16xf32>
    %mul3A_56 = arith.mulf %gather3A_52, %mul3A_55 : vector<16xf32>
    %add3A_57 = arith.addf %add3A_43, %mul3A_56 : vector<16xf32>
    %slice3A_58 = vector.extract_strided_slice %get3A_6 {offsets = [7], sizes = [1], strides = [1]} : vector<16xf32> to vector<1xf32>
    %squeeze3A_59 = vector.extract %slice3A_58[0] : f32 from vector<1xf32>
    %mul3A_60 = vector.broadcast %squeeze3A_59 : f32 to vector<16xf32>
    %mul3A_61 = arith.mulf %gather3A_52, %mul3A_60 : vector<16xf32>
    %add3A_62 = arith.addf %add3A_48, %mul3A_61 : vector<16xf32>
    %slice3A_63 = vector.extract_strided_slice %get3A_6 {offsets = [8], sizes = [1], strides = [1]} : vector<16xf32> to vector<1xf32>
    %squeeze3A_64 = vector.extract %slice3A_63[0] : f32 from vector<1xf32>
    %swap3A = arith.constant 0 : index
    %swap3A_65 = tpu.vector_load %arg9[%swap3A] {strides = array<i32>} : memref<16xf32, #tpu.memory_space<vmem>>, vector<16xf32>,
    tpu.vector_store %arg9[%swap3A], %add3A_57 {strides = array<i32>} : memref<16xf32, #tpu.memory_space<vmem>>, vector<16xf32>,
    %swap3A_66 = arith.constant 0 : index
    %swap3A_67 = tpu.vector_load %arg10[%swap3A_66] {strides = array<i32>} : memref<16xf32, #tpu.memory_space<vmem>>, vector<16xf32>,
    tpu.vector_store %arg10[%swap3A_66], %add3A_62 {strides = array<i32>} : memref<16xf32, #tpu.memory_space<vmem>>, vector<16xf32>,
    %get3A_68 = arith.constant 0 : index
    %get3A_69 = tpu.vector_load %arg11[%get3A_68] {strides = array<i32>} : memref<512xi32, #tpu.memory_space<vmem>>, vector<16xi32>,
    %gather3A_70 = tpu.vector_load_idx %arg9[%get3A_69] : memref<16xf32, #tpu.memory_space<vmem>>[vector<16xi32>], vector<16xf32>,
    %get3A_71 = arith.constant 0 : index
    %get3A_72 = tpu.vector_load %arg12[%get3A_71] {strides = array<i32>} : memref<512xi32, #tpu.memory_space<vmem>>, vector<16xi32>,
    %gather3A_73 = tpu.vector_load_idx %arg10[%get3A_72] : memref<16xf32, #tpu.memory_space<vmem>>[vector<16xi32>], vector<16xf32>,
    %add3A_74 = arith.addf %gather3A_70, %gather3A_73 : vector<16xf32>
    %add3A_75 = vector.broadcast %squeeze3A_64 : f32 to vector<16xf32>
    %add3A_76 = arith.addf %add3A_74, %add3A_75 : vector<16xf32>
    %neg3A = arith.constant 0.000000e+00 : f32
    %neg3A_77 = vector.broadcast %neg3A : f32 to vector<16xf32>
    %neg3A_78 = arith.subf %neg3A_77, %add3A_76 : vector<16xf32>
    %exp3A = math.exp %neg3A_78 : vector<16xf32>
    %add3A_79 = arith.constant 1.000000e+00 : f32
    %add3A_80 = vector.broadcast %add3A_79 : f32 to vector<16xf32>
    %add3A_81 = arith.addf %add3A_80, %exp3A : vector<16xf32>
    %div3A = arith.constant 1.000000e+00 : f32
    %div3A_82 = vector.broadcast %div3A : f32 to vector<16xf32>
    %div3A_83 = arith.divf %div3A_82, %add3A_81 : vector<16xf32>
    %swap3A_84 = arith.constant 0 : index
    %swap3A_85 = tpu.vector_load %arg13[%swap3A_84] {strides = array<i32>} : memref<512xf32, #tpu.memory_space<vmem>>, vector<16xf32>,
    tpu.vector_store %arg13[%swap3A_84], %div3A_83 {strides = array<i32>} : memref<512xf32, #tpu.memory_space<vmem>>, vector<16xf32>,
    %get3A_86 = arith.constant 16 : index
    %get3A_87 = tpu.vector_load %arg11[%get3A_86] {strides = array<i32>} : memref<512xi32, #tpu.memory_space<vmem>>, vector<16xi32>,
    %gather3A_88 = tpu.vector_load_idx %arg9[%get3A_87] : memref<16xf32, #tpu.memory_space<vmem>>[vector<16xi32>], vector<16xf32>,
    %get3A_89 = arith.constant 16 : index
    %get3A_90 = tpu.vector_load %arg12[%get3A_89] {strides = array<i32>} : memref<512xi32, #tpu.memory_space<vmem>>, vector<16xi32>,
    %gather3A_91 = tpu.vector_load_idx %arg10[%get3A_90] : memref<16xf32, #tpu.memory_space<vmem>>[vector<16xi32>], vector<16xf32>,
    %add3A_92 = arith.addf %gather3A_88, %gather3A_91 : vector<16xf32>
    %add3A_93 = vector.broadcast %squeeze3A_64 : f32 to vector<16xf32>
    %add3A_94 = arith.addf %add3A_92, %add3A_93 : vector<16xf32>
    %neg3A_95 = arith.constant 0.000000e+00 : f32
    %neg3A_96 = vector.broadcast %neg3A_95 : f32 to vector<16xf32>
    %neg3A_97 = arith.subf %neg3A_96, %add3A_94 : vector<16xf32>
    %exp3A_98 = math.exp %neg3A_97 : vector<16xf32>
    %add3A_99 = arith.constant 1.000000e+00 : f32
    %add3A_100 = vector.broadcast %add3A_99 : f32 to vector<16xf32>
    %add3A_101 = arith.addf %add3A_100, %exp3A_98 : vector<16xf32>
    %div3A_102 = arith.constant 1.000000e+00 : f32
    %div3A_103 = vector.broadcast %div3A_102 : f32 to vector<16xf32>
    %div3A_104 = arith.divf %div3A_103, %add3A_101 : vector<16xf32>
    %swap3A_105 = arith.constant 16 : index
    %swap3A_106 = tpu.vector_load %arg13[%swap3A_105] {strides = array<i32>} : memref<512xf32, #tpu.memory_space<vmem>>, vector<16xf32>,
    tpu.vector_store %arg13[%swap3A_105], %div3A_104 {strides = array<i32>} : memref<512xf32, #tpu.memory_space<vmem>>, vector<16xf32>,
    %get3A_107 = arith.constant 32 : index
    %get3A_108 = tpu.vector_load %arg11[%get3A_107] {strides = array<i32>} : memref<512xi32, #tpu.memory_space<vmem>>, vector<16xi32>,
    %gather3A_109 = tpu.vector_load_idx %arg9[%get3A_108] : memref<16xf32, #tpu.memory_space<vmem>>[vector<16xi32>], vector<16xf32>,
    %get3A_110 = arith.constant 32 : index
    %get3A_111 = tpu.vector_load %arg12[%get3A_110] {strides = array<i32>} : memref<512xi32, #tpu.memory_space<vmem>>, vector<16xi32>,
    %gather3A_112 = tpu.vector_load_idx %arg10[%get3A_111] : memref<16xf32, #tpu.memory_space<vmem>>[vector<16xi32>], vector<16xf32>,
    %add3A_113 = arith.addf %gather3A_109, %gather3A_112 : vector<16xf32>
    %add3A_114 = vector.broadcast %squeeze3A_64 : f32 to vector<16xf32>
    %add3A_115 = arith.addf %add3A_113, %add3A_114 : vector<16xf32>
    %neg3A_116 = arith.constant 0.000000e+00 : f32
    %neg3A_117 = vector.broadcast %neg3A_116 : f32 to vector<16xf32>
    %neg3A_118 = arith.subf %neg3A_117, %add3A_115 : vector<16xf32>
    %exp3A_119 = math.exp %neg3A_118 : vector<16xf32>
    %add3A_120 = arith.constant 1.000000e+00 : f32
    %add3A_121 = vector.broadcast %add3A_120 : f32 to vector<16xf32>
    %add3A_122 = arith.addf %add3A_121, %exp3A_119 : vector<16xf32>
    %div3A_123 = arith.constant 1.000000e+00 : f32
    %div3A_124 = vector.broadcast %div3A_123 : f32 to vector<16xf32>
    %div3A_125 = arith.divf %div3A_124, %add3A_122 : vector<16xf32>
    %swap3A_126 = arith.constant 32 : index
    %swap3A_127 = tpu.vector_load %arg13[%swap3A_126] {strides = array<i32>} : memref<512xf32, #tpu.memory_space<vmem>>, vector<16xf32>,
    tpu.vector_store %arg13[%swap3A_126], %div3A_125 {strides = array<i32>} : memref<512xf32, #tpu.memory_space<vmem>>, vector<16xf32>,
    %get3A_128 = arith.constant 48 : index
    %get3A_129 = tpu.vector_load %arg11[%get3A_128] {strides = array<i32>} : memref<512xi32, #tpu.memory_space<vmem>>, vector<16xi32>,
    %gather3A_130 = tpu.vector_load_idx %arg9[%get3A_129] : memref<16xf32, #tpu.memory_space<vmem>>[vector<16xi32>], vector<16xf32>,
    %get3A_131 = arith.constant 48 : index
    %get3A_132 = tpu.vector_load %arg12[%get3A_131] {strides = array<i32>} : memref<512xi32, #tpu.memory_space<vmem>>, vector<16xi32>,
    %gather3A_133 = tpu.vector_load_idx %arg10[%get3A_132] : memref<16xf32, #tpu.memory_space<vmem>>[vector<16xi32>], vector<16xf32>,
    %add3A_134 = arith.addf %gather3A_130, %gather3A_133 : vector<16xf32>
    %add3A_135 = vector.broadcast %squeeze3A_64 : f32 to vector<16xf32>
    %add3A_136 = arith.addf %add3A_134, %add3A_135 : vector<16xf32>
    %neg3A_137 = arith.constant 0.000000e+00 : f32
    %neg3A_138 = vector.broadcast %neg3A_137 : f32 to vector<16xf32>
    %neg3A_139 = arith.subf %neg3A_138, %add3A_136 : vector<16xf32>
    %exp3A_140 = math.exp %neg3A_139 : vector<16xf32>
    %add3A_141 = arith.constant 1.000000e+00 : f32
    %add3A_142 = vector.broadcast %add3A_141 : f32 to vector<16xf32>
    %add3A_143 = arith.addf %add3A_142, %exp3A_140 : vector<16xf32>
    %div3A_144 = arith.constant 1.000000e+00 : f32
    %div3A_145 = vector.broadcast %div3A_144 : f32 to vector<16xf32>
    %div3A_146 = arith.divf %div3A_145, %add3A_143 : vector<16xf32>
    %swap3A_147 = arith.constant 48 : index
    %swap3A_148 = tpu.vector_load %arg13[%swap3A_147] {strides = array<i32>} : memref<512xf32, #tpu.memory_space<vmem>>, vector<16xf32>,
    tpu.vector_store %arg13[%swap3A_147], %div3A_146 {strides = array<i32>} : memref<512xf32, #tpu.memory_space<vmem>>, vector<16xf32>,
    %get3A_149 = arith.constant 64 : index
    %get3A_150 = tpu.vector_load %arg11[%get3A_149] {strides = array<i32>} : memref<512xi32, #tpu.memory_space<vmem>>, vector<16xi32>,
    %gather3A_151 = tpu.vector_load_idx %arg9[%get3A_150] : memref<16xf32, #tpu.memory_space<vmem>>[vector<16xi32>], vector<16xf32>,
    %get3A_152 = arith.constant 64 : index
    %get3A_153 = tpu.vector_load %arg12[%get3A_152] {strides = array<i32>} : memref<512xi32, #tpu.memory_space<vmem>>, vector<16xi32>,
    %gather3A_154 = tpu.vector_load_idx %arg10[%get3A_153] : memref<16xf32, #tpu.memory_space<vmem>>[vector<16xi32>], vector<16xf32>,
    %add3A_155 = arith.addf %gather3A_151, %gather3A_154 : vector<16xf32>
    %add3A_156 = vector.broadcast %squeeze3A_64 : f32 to vector<16xf32>
    %add3A_157 = arith.addf %add3A_155, %add3A_156 : vector<16xf32>
    %neg3A_158 = arith.constant 0.000000e+00 : f32
    %neg3A_159 = vector.broadcast %neg3A_158 : f32 to vector<16xf32>
    %neg3A_160 = arith.subf %neg3A_159, %add3A_157 : vector<16xf32>
    %exp3A_161 = math.exp %neg3A_160 : vector<16xf32>
    %add3A_162 = arith.constant 1.000000e+00 : f32
    %add3A_163 = vector.broadcast %add3A_162 : f32 to vector<16xf32>
    %add3A_164 = arith.addf %add3A_163, %exp3A_161 : vector<16xf32>
    %div3A_165 = arith.constant 1.000000e+00 : f32
    %div3A_166 = vector.broadcast %div3A_165 : f32 to vector<16xf32>
    %div3A_167 = arith.divf %div3A_166, %add3A_164 : vector<16xf32>
    %swap3A_168 = arith.constant 64 : index
    %swap3A_169 = tpu.vector_load %arg13[%swap3A_168] {strides = array<i32>} : memref<512xf32, #tpu.memory_space<vmem>>, vector<16xf32>,
    tpu.vector_store %arg13[%swap3A_168], %div3A_167 {strides = array<i32>} : memref<512xf32, #tpu.memory_space<vmem>>, vector<16xf32>,
    %get3A_170 = arith.constant 80 : index
    %get3A_171 = tpu.vector_load %arg11[%get3A_170] {strides = array<i32>} : memref<512xi32, #tpu.memory_space<vmem>>, vector<16xi32>,
    %gather3A_172 = tpu.vector_load_idx %arg9[%get3A_171] : memref<16xf32, #tpu.memory_space<vmem>>[vector<16xi32>], vector<16xf32>,
    %get3A_173 = arith.constant 80 : index
    %get3A_174 = tpu.vector_load %arg12[%get3A_173] {strides = array<i32>} : memref<512xi32, #tpu.memory_space<vmem>>, vector<16xi32>,
    %gather3A_175 = tpu.vector_load_idx %arg10[%get3A_174] : memref<16xf32, #tpu.memory_space<vmem>>[vector<16xi32>], vector<16xf32>,
    %add3A_176 = arith.addf %gather3A_172, %gather3A_175 : vector<16xf32>
    %add3A_177 = vector.broadcast %squeeze3A_64 : f32 to vector<16xf32>
    %add3A_178 = arith.addf %add3A_176, %add3A_177 : vector<16xf32>
    %neg3A_179 = arith.constant 0.000000e+00 : f32
    %neg3A_180 = vector.broadcast %neg3A_179 : f32 to vector<16xf32>
    %neg3A_181 = arith.subf %neg3A_180, %add3A_178 : vector<16xf32>
    %exp3A_182 = math.exp %neg3A_181 : vector<16xf32>
    %add3A_183 = arith.constant 1.000000e+00 : f32
    %add3A_184 = vector.broadcast %add3A_183 : f32 to vector<16xf32>
    %add3A_185 = arith.addf %add3A_184, %exp3A_182 : vector<16xf32>
    %div3A_186 = arith.constant 1.000000e+00 : f32
    %div3A_187 = vector.broadcast %div3A_186 : f32 to vector<16xf32>
    %div3A_188 = arith.divf %div3A_187, %add3A_185 : vector<16xf32>
    %swap3A_189 = arith.constant 80 : index
    %swap3A_190 = tpu.vector_load %arg13[%swap3A_189] {strides = array<i32>} : memref<512xf32, #tpu.memory_space<vmem>>, vector<16xf32>,
    tpu.vector_store %arg13[%swap3A_189], %div3A_188 {strides = array<i32>} : memref<512xf32, #tpu.memory_space<vmem>>, vector<16xf32>,
    %get3A_191 = arith.constant 96 : index
    %get3A_192 = tpu.vector_load %arg11[%get3A_191] {strides = array<i32>} : memref<512xi32, #tpu.memory_space<vmem>>, vector<16xi32>,
    %gather3A_193 = tpu.vector_load_idx %arg9[%get3A_192] : memref<16xf32, #tpu.memory_space<vmem>>[vector<16xi32>], vector<16xf32>,
    %get3A_194 = arith.constant 96 : index
    %get3A_195 = tpu.vector_load %arg12[%get3A_194] {strides = array<i32>} : memref<512xi32, #tpu.memory_space<vmem>>, vector<16xi32>,
    %gather3A_196 = tpu.vector_load_idx %arg10[%get3A_195] : memref<16xf32, #tpu.memory_space<vmem>>[vector<16xi32>], vector<16xf32>,
    %add3A_197 = arith.addf %gather3A_193, %gather3A_196 : vector<16xf32>
    %add3A_198 = vector.broadcast %squeeze3A_64 : f32 to vector<16xf32>
    %add3A_199 = arith.addf %add3A_197, %add3A_198 : vector<16xf32>
    %neg3A_200 = arith.constant 0.000000e+00 : f32
    %neg3A_201 = vector.broadcast %neg3A_200 : f32 to vector<16xf32>
    %neg3A_202 = arith.subf %neg3A_201, %add3A_199 : vector<16xf32>
    %exp3A_203 = math.exp %neg3A_202 : vector<16xf32>
    %add3A_204 = arith.constant 1.000000e+00 : f32
    %add3A_205 = vector.broadcast %add3A_204 : f32 to vector<16xf32>
    %add3A_206 = arith.addf %add3A_205, %exp3A_203 : vector<16xf32>
    %div3A_207 = arith.constant 1.000000e+00 : f32
    %div3A_208 = vector.broadcast %div3A_207 : f32 to vector<16xf32>
    %div3A_209 = arith.divf %div3A_208, %add3A_206 : vector<16xf32>
    %swap3A_210 = arith.constant 96 : index
    %swap3A_211 = tpu.vector_load %arg13[%swap3A_210] {strides = array<i32>} : memref<512xf32, #tpu.memory_space<vmem>>, vector<16xf32>,
    tpu.vector_store %arg13[%swap3A_210], %div3A_209 {strides = array<i32>} : memref<512xf32, #tpu.memory_space<vmem>>, vector<16xf32>,
    %get3A_212 = arith.constant 112 : index
    %get3A_213 = tpu.vector_load %arg11[%get3A_212] {strides = array<i32>} : memref<512xi32, #tpu.memory_space<vmem>>, vector<16xi32>,
    %gather3A_214 = tpu.vector_load_idx %arg9[%get3A_213] : memref<16xf32, #tpu.memory_space<vmem>>[vector<16xi32>], vector<16xf32>,
    %get3A_215 = arith.constant 112 : index
    %get3A_216 = tpu.vector_load %arg12[%get3A_215] {strides = array<i32>} : memref<512xi32, #tpu.memory_space<vmem>>, vector<16xi32>,
    %gather3A_217 = tpu.vector_load_idx %arg10[%get3A_216] : memref<16xf32, #tpu.memory_space<vmem>>[vector<16xi32>], vector<16xf32>,
    %add3A_218 = arith.addf %gather3A_214, %gather3A_217 : vector<16xf32>
    %add3A_219 = vector.broadcast %squeeze3A_64 : f32 to vector<16xf32>
    %add3A_220 = arith.addf %add3A_218, %add3A_219 : vector<16xf32>
    %neg3A_221 = arith.constant 0.000000e+00 : f32
    %neg3A_222 = vector.broadcast %neg3A_221 : f32 to vector<16xf32>
    %neg3A_223 = arith.subf %neg3A_222, %add3A_220 : vector<16xf32>
    %exp3A_224 = math.exp %neg3A_223 : vector<16xf32>
    %add3A_225 = arith.constant 1.000000e+00 : f32
    %add3A_226 = vector.broadcast %add3A_225 : f32 to vector<16xf32>
    %add3A_227 = arith.addf %add3A_226, %exp3A_224 : vector<16xf32>
    %div3A_228 = arith.constant 1.000000e+00 : f32
    %div3A_229 = vector.broadcast %div3A_228 : f32 to vector<16xf32>
    %div3A_230 = arith.divf %div3A_229, %add3A_227 : vector<16xf32>
    %swap3A_231 = arith.constant 112 : index
    %swap3A_232 = tpu.vector_load %arg13[%swap3A_231] {strides = array<i32>} : memref<512xf32, #tpu.memory_space<vmem>>, vector<16xf32>,
    tpu.vector_store %arg13[%swap3A_231], %div3A_230 {strides = array<i32>} : memref<512xf32, #tpu.memory_space<vmem>>, vector<16xf32>,
    %get3A_233 = arith.constant 128 : index
    %get3A_234 = tpu.vector_load %arg11[%get3A_233] {strides = array<i32>} : memref<512xi32, #tpu.memory_space<vmem>>, vector<16xi32>,
    %gather3A_235 = tpu.vector_load_idx %arg9[%get3A_234] : memref<16xf32, #tpu.memory_space<vmem>>[vector<16xi32>], vector<16xf32>,
    %get3A_236 = arith.constant 128 : index
    %get3A_237 = tpu.vector_load %arg12[%get3A_236] {strides = array<i32>} : memref<512xi32, #tpu.memory_space<vmem>>, vector<16xi32>,
    %gather3A_238 = tpu.vector_load_idx %arg10[%get3A_237] : memref<16xf32, #tpu.memory_space<vmem>>[vector<16xi32>], vector<16xf32>,
    %add3A_239 = arith.addf %gather3A_235, %gather3A_238 : vector<16xf32>
    %add3A_240 = vector.broadcast %squeeze3A_64 : f32 to vector<16xf32>
    %add3A_241 = arith.addf %add3A_239, %add3A_240 : vector<16xf32>
    %neg3A_242 = arith.constant 0.000000e+00 : f32
    %neg3A_243 = vector.broadcast %neg3A_242 : f32 to vector<16xf32>
    %neg3A_244 = arith.subf %neg3A_243, %add3A_241 : vector<16xf32>
    %exp3A_245 = math.exp %neg3A_244 : vector<16xf32>
    %add3A_246 = arith.constant 1.000000e+00 : f32
    %add3A_247 = vector.broadcast %add3A_246 : f32 to vector<16xf32>
    %add3A_248 = arith.addf %add3A_247, %exp3A_245 : vector<16xf32>
    %div3A_249 = arith.constant 1.000000e+00 : f32
    %div3A_250 = vector.broadcast %div3A_249 : f32 to vector<16xf32>
    %div3A_251 = arith.divf %div3A_250, %add3A_248 : vector<16xf32>
    %swap3A_252 = arith.constant 128 : index
    %swap3A_253 = tpu.vector_load %arg13[%swap3A_252] {strides = array<i32>} : memref<512xf32, #tpu.memory_space<vmem>>, vector<16xf32>,
    tpu.vector_store %arg13[%swap3A_252], %div3A_251 {strides = array<i32>} : memref<512xf32, #tpu.memory_space<vmem>>, vector<16xf32>,
    %get3A_254 = arith.constant 144 : index
    %get3A_255 = tpu.vector_load %arg11[%get3A_254] {strides = array<i32>} : memref<512xi32, #tpu.memory_space<vmem>>, vector<16xi32>,
    %gather3A_256 = tpu.vector_load_idx %arg9[%get3A_255] : memref<16xf32, #tpu.memory_space<vmem>>[vector<16xi32>], vector<16xf32>,
    %get3A_257 = arith.constant 144 : index
    %get3A_258 = tpu.vector_load %arg12[%get3A_257] {strides = array<i32>} : memref<512xi32, #tpu.memory_space<vmem>>, vector<16xi32>,
    %gather3A_259 = tpu.vector_load_idx %arg10[%get3A_258] : memref<16xf32, #tpu.memory_space<vmem>>[vector<16xi32>], vector<16xf32>,
    %add3A_260 = arith.addf %gather3A_256, %gather3A_259 : vector<16xf32>
    %add3A_261 = vector.broadcast %squeeze3A_64 : f32 to vector<16xf32>
    %add3A_262 = arith.addf %add3A_260, %add3A_261 : vector<16xf32>
    %neg3A_263 = arith.constant 0.000000e+00 : f32
    %neg3A_264 = vector.broadcast %neg3A_263 : f32 to vector<16xf32>
    %neg3A_265 = arith.subf %neg3A_264, %add3A_262 : vector<16xf32>
    %exp3A_266 = math.exp %neg3A_265 : vector<16xf32>
    %add3A_267 = arith.constant 1.000000e+00 : f32
    %add3A_268 = vector.broadcast %add3A_267 : f32 to vector<16xf32>
    %add3A_269 = arith.addf %add3A_268, %exp3A_266 : vector<16xf32>
    %div3A_270 = arith.constant 1.000000e+00 : f32
    %div3A_271 = vector.broadcast %div3A_270 : f32 to vector<16xf32>
    %div3A_272 = arith.divf %div3A_271, %add3A_269 : vector<16xf32>
    %swap3A_273 = arith.constant 144 : index
    %swap3A_274 = tpu.vector_load %arg13[%swap3A_273] {strides = array<i32>} : memref<512xf32, #tpu.memory_space<vmem>>, vector<16xf32>,
    tpu.vector_store %arg13[%swap3A_273], %div3A_272 {strides = array<i32>} : memref<512xf32, #tpu.memory_space<vmem>>, vector<16xf32>,
    %get3A_275 = arith.constant 160 : index
    %get3A_276 = tpu.vector_load %arg11[%get3A_275] {strides = array<i32>} : memref<512xi32, #tpu.memory_space<vmem>>, vector<16xi32>,
    %gather3A_277 = tpu.vector_load_idx %arg9[%get3A_276] : memref<16xf32, #tpu.memory_space<vmem>>[vector<16xi32>], vector<16xf32>,
    %get3A_278 = arith.constant 160 : index
    %get3A_279 = tpu.vector_load %arg12[%get3A_278] {strides = array<i32>} : memref<512xi32, #tpu.memory_space<vmem>>, vector<16xi32>,
    %gather3A_280 = tpu.vector_load_idx %arg10[%get3A_279] : memref<16xf32, #tpu.memory_space<vmem>>[vector<16xi32>], vector<16xf32>,
    %add3A_281 = arith.addf %gather3A_277, %gather3A_280 : vector<16xf32>
    %add3A_282 = vector.broadcast %squeeze3A_64 : f32 to vector<16xf32>
    %add3A_283 = arith.addf %add3A_281, %add3A_282 : vector<16xf32>
    %neg3A_284 = arith.constant 0.000000e+00 : f32
    %neg3A_285 = vector.broadcast %neg3A_284 : f32 to vector<16xf32>
    %neg3A_286 = arith.subf %neg3A_285, %add3A_283 : vector<16xf32>
    %exp3A_287 = math.exp %neg3A_286 : vector<16xf32>
    %add3A_288 = arith.constant 1.000000e+00 : f32
    %add3A_289 = vector.broadcast %add3A_288 : f32 to vector<16xf32>
    %add3A_290 = arith.addf %add3A_289, %exp3A_287 : vector<16xf32>
    %div3A_291 = arith.constant 1.000000e+00 : f32
    %div3A_292 = vector.broadcast %div3A_291 : f32 to vector<16xf32>
    %div3A_293 = arith.divf %div3A_292, %add3A_290 : vector<16xf32>
    %swap3A_294 = arith.constant 160 : index
    %swap3A_295 = tpu.vector_load %arg13[%swap3A_294] {strides = array<i32>} : memref<512xf32, #tpu.memory_space<vmem>>, vector<16xf32>,
    tpu.vector_store %arg13[%swap3A_294], %div3A_293 {strides = array<i32>} : memref<512xf32, #tpu.memory_space<vmem>>, vector<16xf32>,
    %get3A_296 = arith.constant 176 : index
    %get3A_297 = tpu.vector_load %arg11[%get3A_296] {strides = array<i32>} : memref<512xi32, #tpu.memory_space<vmem>>, vector<16xi32>,
    %gather3A_298 = tpu.vector_load_idx %arg9[%get3A_297] : memref<16xf32, #tpu.memory_space<vmem>>[vector<16xi32>], vector<16xf32>,
    %get3A_299 = arith.constant 176 : index
    %get3A_300 = tpu.vector_load %arg12[%get3A_299] {strides = array<i32>} : memref<512xi32, #tpu.memory_space<vmem>>, vector<16xi32>,
    %gather3A_301 = tpu.vector_load_idx %arg10[%get3A_300] : memref<16xf32, #tpu.memory_space<vmem>>[vector<16xi32>], vector<16xf32>,
    %add3A_302 = arith.addf %gather3A_298, %gather3A_301 : vector<16xf32>
    %add3A_303 = vector.broadcast %squeeze3A_64 : f32 to vector<16xf32>
    %add3A_304 = arith.addf %add3A_302, %add3A_303 : vector<16xf32>
    %neg3A_305 = arith.constant 0.000000e+00 : f32
    %neg3A_306 = vector.broadcast %neg3A_305 : f32 to vector<16xf32>
    %neg3A_307 = arith.subf %neg3A_306, %add3A_304 : vector<16xf32>
    %exp3A_308 = math.exp %neg3A_307 : vector<16xf32>
    %add3A_309 = arith.constant 1.000000e+00 : f32
    %add3A_310 = vector.broadcast %add3A_309 : f32 to vector<16xf32>
    %add3A_311 = arith.addf %add3A_310, %exp3A_308 : vector<16xf32>
    %div3A_312 = arith.constant 1.000000e+00 : f32
    %div3A_313 = vector.broadcast %div3A_312 : f32 to vector<16xf32>
    %div3A_314 = arith.divf %div3A_313, %add3A_311 : vector<16xf32>
    %swap3A_315 = arith.constant 176 : index
    %swap3A_316 = tpu.vector_load %arg13[%swap3A_315] {strides = array<i32>} : memref<512xf32, #tpu.memory_space<vmem>>, vector<16xf32>,
    tpu.vector_store %arg13[%swap3A_315], %div3A_314 {strides = array<i32>} : memref<512xf32, #tpu.memory_space<vmem>>, vector<16xf32>,
    %get3A_317 = arith.constant 192 : index
    %get3A_318 = tpu.vector_load %arg11[%get3A_317] {strides = array<i32>} : memref<512xi32, #tpu.memory_space<vmem>>, vector<16xi32>,
    %gather3A_319 = tpu.vector_load_idx %arg9[%get3A_318] : memref<16xf32, #tpu.memory_space<vmem>>[vector<16xi32>], vector<16xf32>,
    %get3A_320 = arith.constant 192 : index
    %get3A_321 = tpu.vector_load %arg12[%get3A_320] {strides = array<i32>} : memref<512xi32, #tpu.memory_space<vmem>>, vector<16xi32>,
    %gather3A_322 = tpu.vector_load_idx %arg10[%get3A_321] : memref<16xf32, #tpu.memory_space<vmem>>[vector<16xi32>], vector<16xf32>,
    %add3A_323 = arith.addf %gather3A_319, %gather3A_322 : vector<16xf32>
    %add3A_324 = vector.broadcast %squeeze3A_64 : f32 to vector<16xf32>
    %add3A_325 = arith.addf %add3A_323, %add3A_324 : vector<16xf32>
    %neg3A_326 = arith.constant 0.000000e+00 : f32
    %neg3A_327 = vector.broadcast %neg3A_326 : f32 to vector<16xf32>
    %neg3A_328 = arith.subf %neg3A_327, %add3A_325 : vector<16xf32>
    %exp3A_329 = math.exp %neg3A_328 : vector<16xf32>
    %add3A_330 = arith.constant 1.000000e+00 : f32
    %add3A_331 = vector.broadcast %add3A_330 : f32 to vector<16xf32>
    %add3A_332 = arith.addf %add3A_331, %exp3A_329 : vector<16xf32>
    %div3A_333 = arith.constant 1.000000e+00 : f32
    %div3A_334 = vector.broadcast %div3A_333 : f32 to vector<16xf32>
    %div3A_335 = arith.divf %div3A_334, %add3A_332 : vector<16xf32>
    %swap3A_336 = arith.constant 192 : index
    %swap3A_337 = tpu.vector_load %arg13[%swap3A_336] {strides = array<i32>} : memref<512xf32, #tpu.memory_space<vmem>>, vector<16xf32>,
    tpu.vector_store %arg13[%swap3A_336], %div3A_335 {strides = array<i32>} : memref<512xf32, #tpu.memory_space<vmem>>, vector<16xf32>,
    %get3A_338 = arith.constant 208 : index
    %get3A_339 = tpu.vector_load %arg11[%get3A_338] {strides = array<i32>} : memref<512xi32, #tpu.memory_space<vmem>>, vector<16xi32>,
    %gather3A_340 = tpu.vector_load_idx %arg9[%get3A_339] : memref<16xf32, #tpu.memory_space<vmem>>[vector<16xi32>], vector<16xf32>,
    %get3A_341 = arith.constant 208 : index
    %get3A_342 = tpu.vector_load %arg12[%get3A_341] {strides = array<i32>} : memref<512xi32, #tpu.memory_space<vmem>>, vector<16xi32>,
    %gather3A_343 = tpu.vector_load_idx %arg10[%get3A_342] : memref<16xf32, #tpu.memory_space<vmem>>[vector<16xi32>], vector<16xf32>,
    %add3A_344 = arith.addf %gather3A_340, %gather3A_343 : vector<16xf32>
    %add3A_345 = vector.broadcast %squeeze3A_64 : f32 to vector<16xf32>
    %add3A_346 = arith.addf %add3A_344, %add3A_345 : vector<16xf32>
    %neg3A_347 = arith.constant 0.000000e+00 : f32
    %neg3A_348 = vector.broadcast %neg3A_347 : f32 to vector<16xf32>
    %neg3A_349 = arith.subf %neg3A_348, %add3A_346 : vector<16xf32>
    %exp3A_350 = math.exp %neg3A_349 : vector<16xf32>
    %add3A_351 = arith.constant 1.000000e+00 : f32
    %add3A_352 = vector.broadcast %add3A_351 : f32 to vector<16xf32>
    %add3A_353 = arith.addf %add3A_352, %exp3A_350 : vector<16xf32>
    %div3A_354 = arith.constant 1.000000e+00 : f32
    %div3A_355 = vector.broadcast %div3A_354 : f32 to vector<16xf32>
    %div3A_356 = arith.divf %div3A_355, %add3A_353 : vector<16xf32>
    %swap3A_357 = arith.constant 208 : index
    %swap3A_358 = tpu.vector_load %arg13[%swap3A_357] {strides = array<i32>} : memref<512xf32, #tpu.memory_space<vmem>>, vector<16xf32>,
    tpu.vector_store %arg13[%swap3A_357], %div3A_356 {strides = array<i32>} : memref<512xf32, #tpu.memory_space<vmem>>, vector<16xf32>,
    %get3A_359 = arith.constant 224 : index
    %get3A_360 = tpu.vector_load %arg11[%get3A_359] {strides = array<i32>} : memref<512xi32, #tpu.memory_space<vmem>>, vector<16xi32>,
    %gather3A_361 = tpu.vector_load_idx %arg9[%get3A_360] : memref<16xf32, #tpu.memory_space<vmem>>[vector<16xi32>], vector<16xf32>,
    %get3A_362 = arith.constant 224 : index
    %get3A_363 = tpu.vector_load %arg12[%get3A_362] {strides = array<i32>} : memref<512xi32, #tpu.memory_space<vmem>>, vector<16xi32>,
    %gather3A_364 = tpu.vector_load_idx %arg10[%get3A_363] : memref<16xf32, #tpu.memory_space<vmem>>[vector<16xi32>], vector<16xf32>,
    %add3A_365 = arith.addf %gather3A_361, %gather3A_364 : vector<16xf32>
    %add3A_366 = vector.broadcast %squeeze3A_64 : f32 to vector<16xf32>
    %add3A_367 = arith.addf %add3A_365, %add3A_366 : vector<16xf32>
    %neg3A_368 = arith.constant 0.000000e+00 : f32
    %neg3A_369 = vector.broadcast %neg3A_368 : f32 to vector<16xf32>
    %neg3A_370 = arith.subf %neg3A_369, %add3A_367 : vector<16xf32>
    %exp3A_371 = math.exp %neg3A_370 : vector<16xf32>
    %add3A_372 = arith.constant 1.000000e+00 : f32
    %add3A_373 = vector.broadcast %add3A_372 : f32 to vector<16xf32>
    %add3A_374 = arith.addf %add3A_373, %exp3A_371 : vector<16xf32>
    %div3A_375 = arith.constant 1.000000e+00 : f32
    %div3A_376 = vector.broadcast %div3A_375 : f32 to vector<16xf32>
    %div3A_377 = arith.divf %div3A_376, %add3A_374 : vector<16xf32>
    %swap3A_378 = arith.constant 224 : index
    %swap3A_379 = tpu.vector_load %arg13[%swap3A_378] {strides = array<i32>} : memref<512xf32, #tpu.memory_space<vmem>>, vector<16xf32>,
    tpu.vector_store %arg13[%swap3A_378], %div3A_377 {strides = array<i32>} : memref<512xf32, #tpu.memory_space<vmem>>, vector<16xf32>,
    %get3A_380 = arith.constant 240 : index
    %get3A_381 = tpu.vector_load %arg11[%get3A_380] {strides = array<i32>} : memref<512xi32, #tpu.memory_space<vmem>>, vector<16xi32>,
    %gather3A_382 = tpu.vector_load_idx %arg9[%get3A_381] : memref<16xf32, #tpu.memory_space<vmem>>[vector<16xi32>], vector<16xf32>,
    %get3A_383 = arith.constant 240 : index
    %get3A_384 = tpu.vector_load %arg12[%get3A_383] {strides = array<i32>} : memref<512xi32, #tpu.memory_space<vmem>>, vector<16xi32>,
    %gather3A_385 = tpu.vector_load_idx %arg10[%get3A_384] : memref<16xf32, #tpu.memory_space<vmem>>[vector<16xi32>], vector<16xf32>,
    %add3A_386 = arith.addf %gather3A_382, %gather3A_385 : vector<16xf32>
    %add3A_387 = vector.broadcast %squeeze3A_64 : f32 to vector<16xf32>
    %add3A_388 = arith.addf %add3A_386, %add3A_387 : vector<16xf32>
    %neg3A_389 = arith.constant 0.000000e+00 : f32
    %neg3A_390 = vector.broadcast %neg3A_389 : f32 to vector<16xf32>
    %neg3A_391 = arith.subf %neg3A_390, %add3A_388 : vector<16xf32>
    %exp3A_392 = math.exp %neg3A_391 : vector<16xf32>
    %add3A_393 = arith.constant 1.000000e+00 : f32
    %add3A_394 = vector.broadcast %add3A_393 : f32 to vector<16xf32>
    %add3A_395 = arith.addf %add3A_394, %exp3A_392 : vector<16xf32>
    %div3A_396 = arith.constant 1.000000e+00 : f32
    %div3A_397 = vector.broadcast %div3A_396 : f32 to vector<16xf32>
    %div3A_398 = arith.divf %div3A_397, %add3A_395 : vector<16xf32>
    %swap3A_399 = arith.constant 240 : index
    %swap3A_400 = tpu.vector_load %arg13[%swap3A_399] {strides = array<i32>} : memref<512xf32, #tpu.memory_space<vmem>>, vector<16xf32>,
    tpu.vector_store %arg13[%swap3A_399], %div3A_398 {strides = array<i32>} : memref<512xf32, #tpu.memory_space<vmem>>, vector<16xf32>,
    %get3A_401 = arith.constant 256 : index
    %get3A_402 = tpu.vector_load %arg11[%get3A_401] {strides = array<i32>} : memref<512xi32, #tpu.memory_space<vmem>>, vector<16xi32>,
    %gather3A_403 = tpu.vector_load_idx %arg9[%get3A_402] : memref<16xf32, #tpu.memory_space<vmem>>[vector<16xi32>], vector<16xf32>,
    %get3A_404 = arith.constant 256 : index
    %get3A_405 = tpu.vector_load %arg12[%get3A_404] {strides = array<i32>} : memref<512xi32, #tpu.memory_space<vmem>>, vector<16xi32>,
    %gather3A_406 = tpu.vector_load_idx %arg10[%get3A_405] : memref<16xf32, #tpu.memory_space<vmem>>[vector<16xi32>], vector<16xf32>,
    %add3A_407 = arith.addf %gather3A_403, %gather3A_406 : vector<16xf32>
    %add3A_408 = vector.broadcast %squeeze3A_64 : f32 to vector<16xf32>
    %add3A_409 = arith.addf %add3A_407, %add3A_408 : vector<16xf32>
    %neg3A_410 = arith.constant 0.000000e+00 : f32
    %neg3A_411 = vector.broadcast %neg3A_410 : f32 to vector<16xf32>
    %neg3A_412 = arith.subf %neg3A_411, %add3A_409 : vector<16xf32>
    %exp3A_413 = math.exp %neg3A_412 : vector<16xf32>
    %add3A_414 = arith.constant 1.000000e+00 : f32
    %add3A_415 = vector.broadcast %add3A_414 : f32 to vector<16xf32>
    %add3A_416 = arith.addf %add3A_415, %exp3A_413 : vector<16xf32>
    %div3A_417 = arith.constant 1.000000e+00 : f32
    %div3A_418 = vector.broadcast %div3A_417 : f32 to vector<16xf32>
    %div3A_419 = arith.divf %div3A_418, %add3A_416 : vector<16xf32>
    %swap3A_420 = arith.constant 256 : index
    %swap3A_421 = tpu.vector_load %arg13[%swap3A_420] {strides = array<i32>} : memref<512xf32, #tpu.memory_space<vmem>>, vector<16xf32>,
    tpu.vector_store %arg13[%swap3A_420], %div3A_419 {strides = array<i32>} : memref<512xf32, #tpu.memory_space<vmem>>, vector<16xf32>,
    %get3A_422 = arith.constant 272 : index
    %get3A_423 = tpu.vector_load %arg11[%get3A_422] {strides = array<i32>} : memref<512xi32, #tpu.memory_space<vmem>>, vector<16xi32>,
    %gather3A_424 = tpu.vector_load_idx %arg9[%get3A_423] : memref<16xf32, #tpu.memory_space<vmem>>[vector<16xi32>], vector<16xf32>,
    %get3A_425 = arith.constant 272 : index
    %get3A_426 = tpu.vector_load %arg12[%get3A_425] {strides = array<i32>} : memref<512xi32, #tpu.memory_space<vmem>>, vector<16xi32>,
    %gather3A_427 = tpu.vector_load_idx %arg10[%get3A_426] : memref<16xf32, #tpu.memory_space<vmem>>[vector<16xi32>], vector<16xf32>,
    %add3A_428 = arith.addf %gather3A_424, %gather3A_427 : vector<16xf32>
    %add3A_429 = vector.broadcast %squeeze3A_64 : f32 to vector<16xf32>
    %add3A_430 = arith.addf %add3A_428, %add3A_429 : vector<16xf32>
    %neg3A_431 = arith.constant 0.000000e+00 : f32
    %neg3A_432 = vector.broadcast %neg3A_431 : f32 to vector<16xf32>
    %neg3A_433 = arith.subf %neg3A_432, %add3A_430 : vector<16xf32>
    %exp3A_434 = math.exp %neg3A_433 : vector<16xf32>
    %add3A_435 = arith.constant 1.000000e+00 : f32
    %add3A_436 = vector.broadcast %add3A_435 : f32 to vector<16xf32>
    %add3A_437 = arith.addf %add3A_436, %exp3A_434 : vector<16xf32>
    %div3A_438 = arith.constant 1.000000e+00 : f32
    %div3A_439 = vector.broadcast %div3A_438 : f32 to vector<16xf32>
    %div3A_440 = arith.divf %div3A_439, %add3A_437 : vector<16xf32>
    %swap3A_441 = arith.constant 272 : index
    %swap3A_442 = tpu.vector_load %arg13[%swap3A_441] {strides = array<i32>} : memref<512xf32, #tpu.memory_space<vmem>>, vector<16xf32>,
    tpu.vector_store %arg13[%swap3A_441], %div3A_440 {strides = array<i32>} : memref<512xf32, #tpu.memory_space<vmem>>, vector<16xf32>,
    %get3A_443 = arith.constant 288 : index
    %get3A_444 = tpu.vector_load %arg11[%get3A_443] {strides = array<i32>} : memref<512xi32, #tpu.memory_space<vmem>>, vector<16xi32>,
    %gather3A_445 = tpu.vector_load_idx %arg9[%get3A_444] : memref<16xf32, #tpu.memory_space<vmem>>[vector<16xi32>], vector<16xf32>,
    %get3A_446 = arith.constant 288 : index
    %get3A_447 = tpu.vector_load %arg12[%get3A_446] {strides = array<i32>} : memref<512xi32, #tpu.memory_space<vmem>>, vector<16xi32>,
    %gather3A_448 = tpu.vector_load_idx %arg10[%get3A_447] : memref<16xf32, #tpu.memory_space<vmem>>[vector<16xi32>], vector<16xf32>,
    %add3A_449 = arith.addf %gather3A_445, %gather3A_448 : vector<16xf32>
    %add3A_450 = vector.broadcast %squeeze3A_64 : f32 to vector<16xf32>
    %add3A_451 = arith.addf %add3A_449, %add3A_450 : vector<16xf32>
    %neg3A_452 = arith.constant 0.000000e+00 : f32
    %neg3A_453 = vector.broadcast %neg3A_452 : f32 to vector<16xf32>
    %neg3A_454 = arith.subf %neg3A_453, %add3A_451 : vector<16xf32>
    %exp3A_455 = math.exp %neg3A_454 : vector<16xf32>
    %add3A_456 = arith.constant 1.000000e+00 : f32
    %add3A_457 = vector.broadcast %add3A_456 : f32 to vector<16xf32>
    %add3A_458 = arith.addf %add3A_457, %exp3A_455 : vector<16xf32>
    %div3A_459 = arith.constant 1.000000e+00 : f32
    %div3A_460 = vector.broadcast %div3A_459 : f32 to vector<16xf32>
    %div3A_461 = arith.divf %div3A_460, %add3A_458 : vector<16xf32>
    %swap3A_462 = arith.constant 288 : index
    %swap3A_463 = tpu.vector_load %arg13[%swap3A_462] {strides = array<i32>} : memref<512xf32, #tpu.memory_space<vmem>>, vector<16xf32>,
    tpu.vector_store %arg13[%swap3A_462], %div3A_461 {strides = array<i32>} : memref<512xf32, #tpu.memory_space<vmem>>, vector<16xf32>,
    %get3A_464 = arith.constant 304 : index
    %get3A_465 = tpu.vector_load %arg11[%get3A_464] {strides = array<i32>} : memref<512xi32, #tpu.memory_space<vmem>>, vector<16xi32>,
    %gather3A_466 = tpu.vector_load_idx %arg9[%get3A_465] : memref<16xf32, #tpu.memory_space<vmem>>[vector<16xi32>], vector<16xf32>,
    %get3A_467 = arith.constant 304 : index
    %get3A_468 = tpu.vector_load %arg12[%get3A_467] {strides = array<i32>} : memref<512xi32, #tpu.memory_space<vmem>>, vector<16xi32>,
    %gather3A_469 = tpu.vector_load_idx %arg10[%get3A_468] : memref<16xf32, #tpu.memory_space<vmem>>[vector<16xi32>], vector<16xf32>,
    %add3A_470 = arith.addf %gather3A_466, %gather3A_469 : vector<16xf32>
    %add3A_471 = vector.broadcast %squeeze3A_64 : f32 to vector<16xf32>
    %add3A_472 = arith.addf %add3A_470, %add3A_471 : vector<16xf32>
    %neg3A_473 = arith.constant 0.000000e+00 : f32
    %neg3A_474 = vector.broadcast %neg3A_473 : f32 to vector<16xf32>
    %neg3A_475 = arith.subf %neg3A_474, %add3A_472 : vector<16xf32>
    %exp3A_476 = math.exp %neg3A_475 : vector<16xf32>
    %add3A_477 = arith.constant 1.000000e+00 : f32
    %add3A_478 = vector.broadcast %add3A_477 : f32 to vector<16xf32>
    %add3A_479 = arith.addf %add3A_478, %exp3A_476 : vector<16xf32>
    %div3A_480 = arith.constant 1.000000e+00 : f32
    %div3A_481 = vector.broadcast %div3A_480 : f32 to vector<16xf32>
    %div3A_482 = arith.divf %div3A_481, %add3A_479 : vector<16xf32>
    %swap3A_483 = arith.constant 304 : index
    %swap3A_484 = tpu.vector_load %arg13[%swap3A_483] {strides = array<i32>} : memref<512xf32, #tpu.memory_space<vmem>>, vector<16xf32>,
    tpu.vector_store %arg13[%swap3A_483], %div3A_482 {strides = array<i32>} : memref<512xf32, #tpu.memory_space<vmem>>, vector<16xf32>,
    %get3A_485 = arith.constant 320 : index
    %get3A_486 = tpu.vector_load %arg11[%get3A_485] {strides = array<i32>} : memref<512xi32, #tpu.memory_space<vmem>>, vector<16xi32>,
    %gather3A_487 = tpu.vector_load_idx %arg9[%get3A_486] : memref<16xf32, #tpu.memory_space<vmem>>[vector<16xi32>], vector<16xf32>,
    %get3A_488 = arith.constant 320 : index
    %get3A_489 = tpu.vector_load %arg12[%get3A_488] {strides = array<i32>} : memref<512xi32, #tpu.memory_space<vmem>>, vector<16xi32>,
    %gather3A_490 = tpu.vector_load_idx %arg10[%get3A_489] : memref<16xf32, #tpu.memory_space<vmem>>[vector<16xi32>], vector<16xf32>,
    %add3A_491 = arith.addf %gather3A_487, %gather3A_490 : vector<16xf32>
    %add3A_492 = vector.broadcast %squeeze3A_64 : f32 to vector<16xf32>
    %add3A_493 = arith.addf %add3A_491, %add3A_492 : vector<16xf32>
    %neg3A_494 = arith.constant 0.000000e+00 : f32
    %neg3A_495 = vector.broadcast %neg3A_494 : f32 to vector<16xf32>
    %neg3A_496 = arith.subf %neg3A_495, %add3A_493 : vector<16xf32>
    %exp3A_497 = math.exp %neg3A_496 : vector<16xf32>
    %add3A_498 = arith.constant 1.000000e+00 : f32
    %add3A_499 = vector.broadcast %add3A_498 : f32 to vector<16xf32>
    %add3A_500 = arith.addf %add3A_499, %exp3A_497 : vector<16xf32>
    %div3A_501 = arith.constant 1.000000e+00 : f32
    %div3A_502 = vector.broadcast %div3A_501 : f32 to vector<16xf32>
    %div3A_503 = arith.divf %div3A_502, %add3A_500 : vector<16xf32>
    %swap3A_504 = arith.constant 320 : index
    %swap3A_505 = tpu.vector_load %arg13[%swap3A_504] {strides = array<i32>} : memref<512xf32, #tpu.memory_space<vmem>>, vector<16xf32>,
    tpu.vector_store %arg13[%swap3A_504], %div3A_503 {strides = array<i32>} : memref<512xf32, #tpu.memory_space<vmem>>, vector<16xf32>,
    %get3A_506 = arith.constant 336 : index
    %get3A_507 = tpu.vector_load %arg11[%get3A_506] {strides = array<i32>} : memref<512xi32, #tpu.memory_space<vmem>>, vector<16xi32>,
    %gather3A_508 = tpu.vector_load_idx %arg9[%get3A_507] : memref<16xf32, #tpu.memory_space<vmem>>[vector<16xi32>], vector<16xf32>,
    %get3A_509 = arith.constant 336 : index
    %get3A_510 = tpu.vector_load %arg12[%get3A_509] {strides = array<i32>} : memref<512xi32, #tpu.memory_space<vmem>>, vector<16xi32>,
    %gather3A_511 = tpu.vector_load_idx %arg10[%get3A_510] : memref<16xf32, #tpu.memory_space<vmem>>[vector<16xi32>], vector<16xf32>,
    %add3A_512 = arith.addf %gather3A_508, %gather3A_511 : vector<16xf32>
    %add3A_513 = vector.broadcast %squeeze3A_64 : f32 to vector<16xf32>
    %add3A_514 = arith.addf %add3A_512, %add3A_513 : vector<16xf32>
    %neg3A_515 = arith.constant 0.000000e+00 : f32
    %neg3A_516 = vector.broadcast %neg3A_515 : f32 to vector<16xf32>
    %neg3A_517 = arith.subf %neg3A_516, %add3A_514 : vector<16xf32>
    %exp3A_518 = math.exp %neg3A_517 : vector<16xf32>
    %add3A_519 = arith.constant 1.000000e+00 : f32
    %add3A_520 = vector.broadcast %add3A_519 : f32 to vector<16xf32>
    %add3A_521 = arith.addf %add3A_520, %exp3A_518 : vector<16xf32>
    %div3A_522 = arith.constant 1.000000e+00 : f32
    %div3A_523 = vector.broadcast %div3A_522 : f32 to vector<16xf32>
    %div3A_524 = arith.divf %div3A_523, %add3A_521 : vector<16xf32>
    %swap3A_525 = arith.constant 336 : index
    %swap3A_526 = tpu.vector_load %arg13[%swap3A_525] {strides = array<i32>} : memref<512xf32, #tpu.memory_space<vmem>>, vector<16xf32>,
    tpu.vector_store %arg13[%swap3A_525], %div3A_524 {strides = array<i32>} : memref<512xf32, #tpu.memory_space<vmem>>, vector<16xf32>,
    %get3A_527 = arith.constant 352 : index
    %get3A_528 = tpu.vector_load %arg11[%get3A_527] {strides = array<i32>} : memref<512xi32, #tpu.memory_space<vmem>>, vector<16xi32>,
    %gather3A_529 = tpu.vector_load_idx %arg9[%get3A_528] : memref<16xf32, #tpu.memory_space<vmem>>[vector<16xi32>], vector<16xf32>,
    %get3A_530 = arith.constant 352 : index
    %get3A_531 = tpu.vector_load %arg12[%get3A_530] {strides = array<i32>} : memref<512xi32, #tpu.memory_space<vmem>>, vector<16xi32>,
    %gather3A_532 = tpu.vector_load_idx %arg10[%get3A_531] : memref<16xf32, #tpu.memory_space<vmem>>[vector<16xi32>], vector<16xf32>,
    %add3A_533 = arith.addf %gather3A_529, %gather3A_532 : vector<16xf32>
    %add3A_534 = vector.broadcast %squeeze3A_64 : f32 to vector<16xf32>
    %add3A_535 = arith.addf %add3A_533, %add3A_534 : vector<16xf32>
    %neg3A_536 = arith.constant 0.000000e+00 : f32
    %neg3A_537 = vector.broadcast %neg3A_536 : f32 to vector<16xf32>
    %neg3A_538 = arith.subf %neg3A_537, %add3A_535 : vector<16xf32>
    %exp3A_539 = math.exp %neg3A_538 : vector<16xf32>
    %add3A_540 = arith.constant 1.000000e+00 : f32
    %add3A_541 = vector.broadcast %add3A_540 : f32 to vector<16xf32>
    %add3A_542 = arith.addf %add3A_541, %exp3A_539 : vector<16xf32>
    %div3A_543 = arith.constant 1.000000e+00 : f32
    %div3A_544 = vector.broadcast %div3A_543 : f32 to vector<16xf32>
    %div3A_545 = arith.divf %div3A_544, %add3A_542 : vector<16xf32>
    %swap3A_546 = arith.constant 352 : index
    %swap3A_547 = tpu.vector_load %arg13[%swap3A_546] {strides = array<i32>} : memref<512xf32, #tpu.memory_space<vmem>>, vector<16xf32>,
    tpu.vector_store %arg13[%swap3A_546], %div3A_545 {strides = array<i32>} : memref<512xf32, #tpu.memory_space<vmem>>, vector<16xf32>,
    %get3A_548 = arith.constant 368 : index
    %get3A_549 = tpu.vector_load %arg11[%get3A_548] {strides = array<i32>} : memref<512xi32, #tpu.memory_space<vmem>>, vector<16xi32>,
    %gather3A_550 = tpu.vector_load_idx %arg9[%get3A_549] : memref<16xf32, #tpu.memory_space<vmem>>[vector<16xi32>], vector<16xf32>,
    %get3A_551 = arith.constant 368 : index
    %get3A_552 = tpu.vector_load %arg12[%get3A_551] {strides = array<i32>} : memref<512xi32, #tpu.memory_space<vmem>>, vector<16xi32>,
    %gather3A_553 = tpu.vector_load_idx %arg10[%get3A_552] : memref<16xf32, #tpu.memory_space<vmem>>[vector<16xi32>], vector<16xf32>,
    %add3A_554 = arith.addf %gather3A_550, %gather3A_553 : vector<16xf32>
    %add3A_555 = vector.broadcast %squeeze3A_64 : f32 to vector<16xf32>
    %add3A_556 = arith.addf %add3A_554, %add3A_555 : vector<16xf32>
    %neg3A_557 = arith.constant 0.000000e+00 : f32
    %neg3A_558 = vector.broadcast %neg3A_557 : f32 to vector<16xf32>
    %neg3A_559 = arith.subf %neg3A_558, %add3A_556 : vector<16xf32>
    %exp3A_560 = math.exp %neg3A_559 : vector<16xf32>
    %add3A_561 = arith.constant 1.000000e+00 : f32
    %add3A_562 = vector.broadcast %add3A_561 : f32 to vector<16xf32>
    %add3A_563 = arith.addf %add3A_562, %exp3A_560 : vector<16xf32>
    %div3A_564 = arith.constant 1.000000e+00 : f32
    %div3A_565 = vector.broadcast %div3A_564 : f32 to vector<16xf32>
    %div3A_566 = arith.divf %div3A_565, %add3A_563 : vector<16xf32>
    %swap3A_567 = arith.constant 368 : index
    %swap3A_568 = tpu.vector_load %arg13[%swap3A_567] {strides = array<i32>} : memref<512xf32, #tpu.memory_space<vmem>>, vector<16xf32>,
    tpu.vector_store %arg13[%swap3A_567], %div3A_566 {strides = array<i32>} : memref<512xf32, #tpu.memory_space<vmem>>, vector<16xf32>,
    %get3A_569 = arith.constant 384 : index
    %get3A_570 = tpu.vector_load %arg11[%get3A_569] {strides = array<i32>} : memref<512xi32, #tpu.memory_space<vmem>>, vector<16xi32>,
    %gather3A_571 = tpu.vector_load_idx %arg9[%get3A_570] : memref<16xf32, #tpu.memory_space<vmem>>[vector<16xi32>], vector<16xf32>,
    %get3A_572 = arith.constant 384 : index
    %get3A_573 = tpu.vector_load %arg12[%get3A_572] {strides = array<i32>} : memref<512xi32, #tpu.memory_space<vmem>>, vector<16xi32>,
    %gather3A_574 = tpu.vector_load_idx %arg10[%get3A_573] : memref<16xf32, #tpu.memory_space<vmem>>[vector<16xi32>], vector<16xf32>,
    %add3A_575 = arith.addf %gather3A_571, %gather3A_574 : vector<16xf32>
    %add3A_576 = vector.broadcast %squeeze3A_64 : f32 to vector<16xf32>
    %add3A_577 = arith.addf %add3A_575, %add3A_576 : vector<16xf32>
    %neg3A_578 = arith.constant 0.000000e+00 : f32
    %neg3A_579 = vector.broadcast %neg3A_578 : f32 to vector<16xf32>
    %neg3A_580 = arith.subf %neg3A_579, %add3A_577 : vector<16xf32>
    %exp3A_581 = math.exp %neg3A_580 : vector<16xf32>
    %add3A_582 = arith.constant 1.000000e+00 : f32
    %add3A_583 = vector.broadcast %add3A_582 : f32 to vector<16xf32>
    %add3A_584 = arith.addf %add3A_583, %exp3A_581 : vector<16xf32>
    %div3A_585 = arith.constant 1.000000e+00 : f32
    %div3A_586 = vector.broadcast %div3A_585 : f32 to vector<16xf32>
    %div3A_587 = arith.divf %div3A_586, %add3A_584 : vector<16xf32>
    %swap3A_588 = arith.constant 384 : index
    %swap3A_589 = tpu.vector_load %arg13[%swap3A_588] {strides = array<i32>} : memref<512xf32, #tpu.memory_space<vmem>>, vector<16xf32>,
    tpu.vector_store %arg13[%swap3A_588], %div3A_587 {strides = array<i32>} : memref<512xf32, #tpu.memory_space<vmem>>, vector<16xf32>,
    %get3A_590 = arith.constant 400 : index
    %get3A_591 = tpu.vector_load %arg11[%get3A_590] {strides = array<i32>} : memref<512xi32, #tpu.memory_space<vmem>>, vector<16xi32>,
    %gather3A_592 = tpu.vector_load_idx %arg9[%get3A_591] : memref<16xf32, #tpu.memory_space<vmem>>[vector<16xi32>], vector<16xf32>,
    %get3A_593 = arith.constant 400 : index
    %get3A_594 = tpu.vector_load %arg12[%get3A_593] {strides = array<i32>} : memref<512xi32, #tpu.memory_space<vmem>>, vector<16xi32>,
    %gather3A_595 = tpu.vector_load_idx %arg10[%get3A_594] : memref<16xf32, #tpu.memory_space<vmem>>[vector<16xi32>], vector<16xf32>,
    %add3A_596 = arith.addf %gather3A_592, %gather3A_595 : vector<16xf32>
    %add3A_597 = vector.broadcast %squeeze3A_64 : f32 to vector<16xf32>
    %add3A_598 = arith.addf %add3A_596, %add3A_597 : vector<16xf32>
    %neg3A_599 = arith.constant 0.000000e+00 : f32
    %neg3A_600 = vector.broadcast %neg3A_599 : f32 to vector<16xf32>
    %neg3A_601 = arith.subf %neg3A_600, %add3A_598 : vector<16xf32>
    %exp3A_602 = math.exp %neg3A_601 : vector<16xf32>
    %add3A_603 = arith.constant 1.000000e+00 : f32
    %add3A_604 = vector.broadcast %add3A_603 : f32 to vector<16xf32>
    %add3A_605 = arith.addf %add3A_604, %exp3A_602 : vector<16xf32>
    %div3A_606 = arith.constant 1.000000e+00 : f32
    %div3A_607 = vector.broadcast %div3A_606 : f32 to vector<16xf32>
    %div3A_608 = arith.divf %div3A_607, %add3A_605 : vector<16xf32>
    %swap3A_609 = arith.constant 400 : index
    %swap3A_610 = tpu.vector_load %arg13[%swap3A_609] {strides = array<i32>} : memref<512xf32, #tpu.memory_space<vmem>>, vector<16xf32>,
    tpu.vector_store %arg13[%swap3A_609], %div3A_608 {strides = array<i32>} : memref<512xf32, #tpu.memory_space<vmem>>, vector<16xf32>,
    %get3A_611 = arith.constant 416 : index
    %get3A_612 = tpu.vector_load %arg11[%get3A_611] {strides = array<i32>} : memref<512xi32, #tpu.memory_space<vmem>>, vector<16xi32>,
    %gather3A_613 = tpu.vector_load_idx %arg9[%get3A_612] : memref<16xf32, #tpu.memory_space<vmem>>[vector<16xi32>], vector<16xf32>,
    %get3A_614 = arith.constant 416 : index
    %get3A_615 = tpu.vector_load %arg12[%get3A_614] {strides = array<i32>} : memref<512xi32, #tpu.memory_space<vmem>>, vector<16xi32>,
    %gather3A_616 = tpu.vector_load_idx %arg10[%get3A_615] : memref<16xf32, #tpu.memory_space<vmem>>[vector<16xi32>], vector<16xf32>,
    %add3A_617 = arith.addf %gather3A_613, %gather3A_616 : vector<16xf32>
    %add3A_618 = vector.broadcast %squeeze3A_64 : f32 to vector<16xf32>
    %add3A_619 = arith.addf %add3A_617, %add3A_618 : vector<16xf32>
    %neg3A_620 = arith.constant 0.000000e+00 : f32
    %neg3A_621 = vector.broadcast %neg3A_620 : f32 to vector<16xf32>
    %neg3A_622 = arith.subf %neg3A_621, %add3A_619 : vector<16xf32>
    %exp3A_623 = math.exp %neg3A_622 : vector<16xf32>
    %add3A_624 = arith.constant 1.000000e+00 : f32
    %add3A_625 = vector.broadcast %add3A_624 : f32 to vector<16xf32>
    %add3A_626 = arith.addf %add3A_625, %exp3A_623 : vector<16xf32>
    %div3A_627 = arith.constant 1.000000e+00 : f32
    %div3A_628 = vector.broadcast %div3A_627 : f32 to vector<16xf32>
    %div3A_629 = arith.divf %div3A_628, %add3A_626 : vector<16xf32>
    %swap3A_630 = arith.constant 416 : index
    %swap3A_631 = tpu.vector_load %arg13[%swap3A_630] {strides = array<i32>} : memref<512xf32, #tpu.memory_space<vmem>>, vector<16xf32>,
    tpu.vector_store %arg13[%swap3A_630], %div3A_629 {strides = array<i32>} : memref<512xf32, #tpu.memory_space<vmem>>, vector<16xf32>,
    %get3A_632 = arith.constant 432 : index
    %get3A_633 = tpu.vector_load %arg11[%get3A_632] {strides = array<i32>} : memref<512xi32, #tpu.memory_space<vmem>>, vector<16xi32>,
    %gather3A_634 = tpu.vector_load_idx %arg9[%get3A_633] : memref<16xf32, #tpu.memory_space<vmem>>[vector<16xi32>], vector<16xf32>,
    %get3A_635 = arith.constant 432 : index
    %get3A_636 = tpu.vector_load %arg12[%get3A_635] {strides = array<i32>} : memref<512xi32, #tpu.memory_space<vmem>>, vector<16xi32>,
    %gather3A_637 = tpu.vector_load_idx %arg10[%get3A_636] : memref<16xf32, #tpu.memory_space<vmem>>[vector<16xi32>], vector<16xf32>,
    %add3A_638 = arith.addf %gather3A_634, %gather3A_637 : vector<16xf32>
    %add3A_639 = vector.broadcast %squeeze3A_64 : f32 to vector<16xf32>
    %add3A_640 = arith.addf %add3A_638, %add3A_639 : vector<16xf32>
    %neg3A_641 = arith.constant 0.000000e+00 : f32
    %neg3A_642 = vector.broadcast %neg3A_641 : f32 to vector<16xf32>
    %neg3A_643 = arith.subf %neg3A_642, %add3A_640 : vector<16xf32>
    %exp3A_644 = math.exp %neg3A_643 : vector<16xf32>
    %add3A_645 = arith.constant 1.000000e+00 : f32
    %add3A_646 = vector.broadcast %add3A_645 : f32 to vector<16xf32>
    %add3A_647 = arith.addf %add3A_646, %exp3A_644 : vector<16xf32>
    %div3A_648 = arith.constant 1.000000e+00 : f32
    %div3A_649 = vector.broadcast %div3A_648 : f32 to vector<16xf32>
    %div3A_650 = arith.divf %div3A_649, %add3A_647 : vector<16xf32>
    %swap3A_651 = arith.constant 432 : index
    %swap3A_652 = tpu.vector_load %arg13[%swap3A_651] {strides = array<i32>} : memref<512xf32, #tpu.memory_space<vmem>>, vector<16xf32>,
    tpu.vector_store %arg13[%swap3A_651], %div3A_650 {strides = array<i32>} : memref<512xf32, #tpu.memory_space<vmem>>, vector<16xf32>,
    %get3A_653 = arith.constant 448 : index
    %get3A_654 = tpu.vector_load %arg11[%get3A_653] {strides = array<i32>} : memref<512xi32, #tpu.memory_space<vmem>>, vector<16xi32>,
    %gather3A_655 = tpu.vector_load_idx %arg9[%get3A_654] : memref<16xf32, #tpu.memory_space<vmem>>[vector<16xi32>], vector<16xf32>,
    %get3A_656 = arith.constant 448 : index
    %get3A_657 = tpu.vector_load %arg12[%get3A_656] {strides = array<i32>} : memref<512xi32, #tpu.memory_space<vmem>>, vector<16xi32>,
    %gather3A_658 = tpu.vector_load_idx %arg10[%get3A_657] : memref<16xf32, #tpu.memory_space<vmem>>[vector<16xi32>], vector<16xf32>,
    %add3A_659 = arith.addf %gather3A_655, %gather3A_658 : vector<16xf32>
    %add3A_660 = vector.broadcast %squeeze3A_64 : f32 to vector<16xf32>
    %add3A_661 = arith.addf %add3A_659, %add3A_660 : vector<16xf32>
    %neg3A_662 = arith.constant 0.000000e+00 : f32
    %neg3A_663 = vector.broadcast %neg3A_662 : f32 to vector<16xf32>
    %neg3A_664 = arith.subf %neg3A_663, %add3A_661 : vector<16xf32>
    %exp3A_665 = math.exp %neg3A_664 : vector<16xf32>
    %add3A_666 = arith.constant 1.000000e+00 : f32
    %add3A_667 = vector.broadcast %add3A_666 : f32 to vector<16xf32>
    %add3A_668 = arith.addf %add3A_667, %exp3A_665 : vector<16xf32>
    %div3A_669 = arith.constant 1.000000e+00 : f32
    %div3A_670 = vector.broadcast %div3A_669 : f32 to vector<16xf32>
    %div3A_671 = arith.divf %div3A_670, %add3A_668 : vector<16xf32>
    %swap3A_672 = arith.constant 448 : index
    %swap3A_673 = tpu.vector_load %arg13[%swap3A_672] {strides = array<i32>} : memref<512xf32, #tpu.memory_space<vmem>>, vector<16xf32>,
    tpu.vector_store %arg13[%swap3A_672], %div3A_671 {strides = array<i32>} : memref<512xf32, #tpu.memory_space<vmem>>, vector<16xf32>,
    %get3A_674 = arith.constant 464 : index
    %get3A_675 = tpu.vector_load %arg11[%get3A_674] {strides = array<i32>} : memref<512xi32, #tpu.memory_space<vmem>>, vector<16xi32>,
    %gather3A_676 = tpu.vector_load_idx %arg9[%get3A_675] : memref<16xf32, #tpu.memory_space<vmem>>[vector<16xi32>], vector<16xf32>,
    %get3A_677 = arith.constant 464 : index
    %get3A_678 = tpu.vector_load %arg12[%get3A_677] {strides = array<i32>} : memref<512xi32, #tpu.memory_space<vmem>>, vector<16xi32>,
    %gather3A_679 = tpu.vector_load_idx %arg10[%get3A_678] : memref<16xf32, #tpu.memory_space<vmem>>[vector<16xi32>], vector<16xf32>,
    %add3A_680 = arith.addf %gather3A_676, %gather3A_679 : vector<16xf32>
    %add3A_681 = vector.broadcast %squeeze3A_64 : f32 to vector<16xf32>
    %add3A_682 = arith.addf %add3A_680, %add3A_681 : vector<16xf32>
    %neg3A_683 = arith.constant 0.000000e+00 : f32
    %neg3A_684 = vector.broadcast %neg3A_683 : f32 to vector<16xf32>
    %neg3A_685 = arith.subf %neg3A_684, %add3A_682 : vector<16xf32>
    %exp3A_686 = math.exp %neg3A_685 : vector<16xf32>
    %add3A_687 = arith.constant 1.000000e+00 : f32
    %add3A_688 = vector.broadcast %add3A_687 : f32 to vector<16xf32>
    %add3A_689 = arith.addf %add3A_688, %exp3A_686 : vector<16xf32>
    %div3A_690 = arith.constant 1.000000e+00 : f32
    %div3A_691 = vector.broadcast %div3A_690 : f32 to vector<16xf32>
    %div3A_692 = arith.divf %div3A_691, %add3A_689 : vector<16xf32>
    %swap3A_693 = arith.constant 464 : index
    %swap3A_694 = tpu.vector_load %arg13[%swap3A_693] {strides = array<i32>} : memref<512xf32, #tpu.memory_space<vmem>>, vector<16xf32>,
    tpu.vector_store %arg13[%swap3A_693], %div3A_692 {strides = array<i32>} : memref<512xf32, #tpu.memory_space<vmem>>, vector<16xf32>,
    %get3A_695 = arith.constant 480 : index
    %get3A_696 = tpu.vector_load %arg11[%get3A_695] {strides = array<i32>} : memref<512xi32, #tpu.memory_space<vmem>>, vector<16xi32>,
    %gather3A_697 = tpu.vector_load_idx %arg9[%get3A_696] : memref<16xf32, #tpu.memory_space<vmem>>[vector<16xi32>], vector<16xf32>,
    %get3A_698 = arith.constant 480 : index
    %get3A_699 = tpu.vector_load %arg12[%get3A_698] {strides = array<i32>} : memref<512xi32, #tpu.memory_space<vmem>>, vector<16xi32>,
    %gather3A_700 = tpu.vector_load_idx %arg10[%get3A_699] : memref<16xf32, #tpu.memory_space<vmem>>[vector<16xi32>], vector<16xf32>,
    %add3A_701 = arith.addf %gather3A_697, %gather3A_700 : vector<16xf32>
    %add3A_702 = vector.broadcast %squeeze3A_64 : f32 to vector<16xf32>
    %add3A_703 = arith.addf %add3A_701, %add3A_702 : vector<16xf32>
    %neg3A_704 = arith.constant 0.000000e+00 : f32
    %neg3A_705 = vector.broadcast %neg3A_704 : f32 to vector<16xf32>
    %neg3A_706 = arith.subf %neg3A_705, %add3A_703 : vector<16xf32>
    %exp3A_707 = math.exp %neg3A_706 : vector<16xf32>
    %add3A_708 = arith.constant 1.000000e+00 : f32
    %add3A_709 = vector.broadcast %add3A_708 : f32 to vector<16xf32>
    %add3A_710 = arith.addf %add3A_709, %exp3A_707 : vector<16xf32>
    %div3A_711 = arith.constant 1.000000e+00 : f32
    %div3A_712 = vector.broadcast %div3A_711 : f32 to vector<16xf32>
    %div3A_713 = arith.divf %div3A_712, %add3A_710 : vector<16xf32>
    %swap3A_714 = arith.constant 480 : index
    %swap3A_715 = tpu.vector_load %arg13[%swap3A_714] {strides = array<i32>} : memref<512xf32, #tpu.memory_space<vmem>>, vector<16xf32>,
    tpu.vector_store %arg13[%swap3A_714], %div3A_713 {strides = array<i32>} : memref<512xf32, #tpu.memory_space<vmem>>, vector<16xf32>,
    %get3A_716 = arith.constant 496 : index
    %get3A_717 = tpu.vector_load %arg11[%get3A_716] {strides = array<i32>} : memref<512xi32, #tpu.memory_space<vmem>>, vector<16xi32>,
    %gather3A_718 = tpu.vector_load_idx %arg9[%get3A_717] : memref<16xf32, #tpu.memory_space<vmem>>[vector<16xi32>], vector<16xf32>,
    %get3A_719 = arith.constant 496 : index
    %get3A_720 = tpu.vector_load %arg12[%get3A_719] {strides = array<i32>} : memref<512xi32, #tpu.memory_space<vmem>>, vector<16xi32>,
    %gather3A_721 = tpu.vector_load_idx %arg10[%get3A_720] : memref<16xf32, #tpu.memory_space<vmem>>[vector<16xi32>], vector<16xf32>,
    %add3A_722 = arith.addf %gather3A_718, %gather3A_721 : vector<16xf32>
    %add3A_723 = vector.broadcast %squeeze3A_64 : f32 to vector<16xf32>
    %add3A_724 = arith.addf %add3A_722, %add3A_723 : vector<16xf32>
    %neg3A_725 = arith.constant 0.000000e+00 : f32
    %neg3A_726 = vector.broadcast %neg3A_725 : f32 to vector<16xf32>
    %neg3A_727 = arith.subf %neg3A_726, %add3A_724 : vector<16xf32>
    %exp3A_728 = math.exp %neg3A_727 : vector<16xf32>
    %add3A_729 = arith.constant 1.000000e+00 : f32
    %add3A_730 = vector.broadcast %add3A_729 : f32 to vector<16xf32>
    %add3A_731 = arith.addf %add3A_730, %exp3A_728 : vector<16xf32>
    %div3A_732 = arith.constant 1.000000e+00 : f32
    %div3A_733 = vector.broadcast %div3A_732 : f32 to vector<16xf32>
    %div3A_734 = arith.divf %div3A_733, %add3A_731 : vector<16xf32>
    %swap3A_735 = arith.constant 496 : index
    %swap3A_736 = tpu.vector_load %arg13[%swap3A_735] {strides = array<i32>} : memref<512xf32, #tpu.memory_space<vmem>>, vector<16xf32>,
    tpu.vector_store %arg13[%swap3A_735], %div3A_734 {strides = array<i32>} : memref<512xf32, #tpu.memory_space<vmem>>, vector<16xf32>,
    "tpu.region"() ({
      %run_scoped3A = tpu.sem_alloc : memref<!tpu.dma_semaphore, #tpu.memory_space<semaphore_mem>>
      %dma_start3A = tpu.memref_slice %arg6[%mul3A_2] : memref<16384xf32, #tpu.memory_space<hbm>> -> memref<512xf32, #tpu.memory_space<hbm>>
      %dma_start3A_737 = tpu.memref_slice %arg6[%mul3A_2] : memref<16384xf32, #tpu.memory_space<hbm>> -> memref<512xf32, #tpu.memory_space<hbm>>
      tpu.enqueue_dma source(%arg13 : memref<512xf32, #tpu.memory_space<vmem>>) target(%dma_start3A_737 : memref<512xf32, #tpu.memory_space<hbm>>) target_semaphore(%run_scoped3A : memref<!tpu.dma_semaphore, #tpu.memory_space<semaphore_mem>>)
      %dma_wait3A = tpu.memref_slice %arg6[%mul3A_2] : memref<16384xf32, #tpu.memory_space<hbm>> -> memref<512xf32, #tpu.memory_space<hbm>>
      %dma_wait3A_738 = tpu.memref_slice %arg6[%mul3A_2] : memref<16384xf32, #tpu.memory_space<hbm>> -> memref<512xf32, #tpu.memory_space<hbm>>
      tpu.wait_dma2 semaphore(%run_scoped3A : memref<!tpu.dma_semaphore, #tpu.memory_space<semaphore_mem>>) src(%arg13 : memref<512xf32, #tpu.memory_space<vmem>>) dst(%dma_wait3A_738 : memref<512xf32, #tpu.memory_space<hbm>>)
      tpu.yield
    }) : () -> ()
    return
  }
}

</mosaic_0001>

<sc_bundles>
// kernel: kernel.3.cloned.1.call-start
scs
__scs_entry_jumppad:
0x0: {  	(pc) =	sbr.rel $0x88, $3  }
0x1: {  	(tag) =	ssettag $0x0;
	lr =	simm.s32 $0x1  }
0x2: {  	[smem:$0x3F9C] =	sst lr;
	_ =	strace $0xD0000000  }
0x3: {  	_ = 	snop  }
0x4: {  	_ = 	snop  }
0x5: {  	_ = 	snop  }
0x6: {  	_ = 	snop  }
0x7: {  	_ = 	snop  }
__scs_overlays_trampoline_lowered:
0x8: {  	[smem:$0x3FAB] =	sst s0  }
0x9: {  	[smem:$0x3FAC] =	sst s1  }
0xa: {  	[smem:$0x3FAD] =	sst s2  }
0xb: {  	[smem:$0x3FAE] =	sst s3  }
0xc: {  	[smem:$0x3FAF] =	sst s4  }
0xd: {  	[smem:$0x3FB0] =	sst s5  }
0xe: {  	[smem:$0x3FB1] =	sst s6  }
0xf: {  	[smem:$0x3FB2] =	sst s7  }
0x10: {  	[smem:$0x3FB3] =	sst s8  }
0x11: {  	[smem:$0x3FB4] =	sst s9;
	s0 =	simm.s32 @!p0 $0x0  }
0x12: {  	s1 =	sld [smem:$0x3F9A];
	s0 =	simm.s32 @p0 $0x1  }
0x13: {  	[smem:$0x3FB5] =	sst s0;
	s0 =	simm.s32 @!p1 $0x0  }
0x14: {  	s2 =	sld [smem:$0x3F99];
	s0 =	simm.s32 @p1 $0x1  }
0x15: {  	[smem:$0x3FB6] =	sst s0;
	s0 =	simm.s32 @!p2 $0x0  }
0x16: {  	s3 =	sld [smem:$0x3FDB];
	s0 =	simm.s32 @p2 $0x1  }
0x17: {  	s4 =	simm.s32 $0x1BF5;
	[smem:$0x3FB8] =	sst s0  }
0x18: {  	s0 =	sld [smem:$0x3F9B];
	_ =	swait.ge [sflag:s4], $0x0  }
0x19: {  	s7 =	sld [smem:$0x3F9C]  }
0x1a: {  	s8 =	sadd.s32 $0xFFFFE003, lr  }
0x1b: {  	s9 =	sadd.s32 $0xFFFFFEF7, lr;
	s5 =	simm.s32 $0xFFFFFFFF;
	p2 =	slt.u32 s8, $0xFFFFF086  }
0x1c: {  	p1 =	slt.u32 s9, $0xF7A;
	s5 =	simm.s32 @!p2 $0x0  }
0x1d: {  	s5 =	simm.s32 @p1 $0x1;
	p0 =	seq.s32 s7, s2  }
0x1e: {  	s7 =	smul.u32 @!p0 $0xF7A, s2;
	p2 =	seq.s32 @!p0 s5, $0x0  }
0x1f: {  	s9 =	smul.u32 $0xF7A, s1;
	s8 =	simm.s32 @!p0 $0x1BF5;
	p2 =	por !p2, p0  }
0x20: {  	[sflag:s8] =	ssyncset.s32 @!p0 $0xFFFFF086;
	s6 =	sadd.s32 @!p0 s3, s7;
	s7 =	simm.s32 @!p0 $0x108  }
0x21: {  	s3 =	sadd.s32 s3, s9;
	s6 =	sadd.s32 @!p0 $0x88, s6;
	s7 =	simm.s32 @p2 $0x1082  }
0x22: {  	[simem:s7], [sflag:s8] =	dma.local @!p0 [hbm:s6], $0xF7A  }
0x23: {  	s9 =	sor.u32 $0xD0000000, s2;
	s6 =	simm.s32 $0x108;
	_ =	swait.ge @!p0 [sflag:s8], $0x0  }
0x24: {  	s3 =	sadd.s32 $0x88, s3;
	s6 =	simm.s32 @!p1 $0x1082;
	[sflag:s4] =	ssyncset.s32 $0xFFFFF086  }
0x25: {  	[simem:s6], [sflag:s4] =	dma.local [hbm:s3], $0xF7A  }
0x26: {  	[smem:$0x3F9C] =	sst s1;
	(tag) =	ssettag s2;
	_ =	strace s9  }
0x27: {  	s1 =	sld [smem:$0x3FAC]  }
0x28: {  	s2 =	sld [smem:$0x3FAD]  }
0x29: {  	s4 =	sld [smem:$0x3FAF]  }
0x2a: {  	p0 =	seq.s32 s5, $0x0;
	s5 =	sld [smem:$0x3FB0]  }
0x2b: {  	s6 =	sld [smem:$0x3FB1]  }
0x2c: {  	s7 =	sld [smem:$0x3FB2]  }
0x2d: {  	s3 =	simm.s32 $0x108;
	s8 =	sld [smem:$0x3FB3]  }
0x2e: {  	s3 =	simm.s32 @!p0 $0x1082;
	s9 =	sld [smem:$0x3FB4]  }
0x2f: {  	lr =	sadd.s32 s0, s3;
	s0 =	sld [smem:$0x3FAB]  }
0x30: {  	s3 =	sld [smem:$0x3FAE]  }
0x31: {  	[smem:$0x3FB7] =	sst s10  }
0x32: {  	s10 =	sld [smem:$0x3FB5];
	_ =	sdelay $0x3  }
0x33: {  	p0 =	seq.s32 s10, $0x1;
	s10 =	sld [smem:$0x3FB7];
	_ =	sdelay $0x3  }
0x34: {  	[smem:$0x3FB7] =	sst s10  }
0x35: {  	s10 =	sld [smem:$0x3FB6];
	_ =	sdelay $0x3  }
0x36: {  	p1 =	seq.s32 s10, $0x1;
	s10 =	sld [smem:$0x3FB7];
	_ =	sdelay $0x3  }
0x37: {  	[smem:$0x3FB7] =	sst s10  }
0x38: {  	s10 =	sld [smem:$0x3FB8]  }
0x39: {  	_ = 	snop;
	(pc) =	sbr.ind lr, $3  }
0x3a: {  	_ = 	snop  }
0x3b: {  	_ = 	snop  }
0x3c: {  	p2 =	seq.s32 s10, $0x1;
	s10 =	sld [smem:$0x3FB7]  }
0x3d: {  	_ =	shalt  }
0x3e: {  	_ =	shalt  }
0x3f: {  	_ =	shalt  }
0x40: {  	_ =	shalt  }
0x41: {  	_ =	shalt  }
0x42: {  	_ =	shalt  }
0x43: {  	_ =	shalt  }
0x44: {  	_ =	shalt  }
0x45: {  	_ =	shalt  }
0x46: {  	_ =	shalt  }
0x47: {  	_ =	shalt  }
0x48: {  	_ =	shalt  }
0x49: {  	_ =	shalt  }
0x4a: {  	_ =	shalt  }
0x4b: {  	_ =	shalt  }
0x4c: {  	_ =	shalt  }
0x4d: {  	_ =	shalt  }
0x4e: {  	_ =	shalt  }
0x4f: {  	_ =	shalt  }
0x50: {  	_ =	shalt  }
0x51: {  	_ =	shalt  }
0x52: {  	_ =	shalt  }
0x53: {  	_ =	shalt  }
0x54: {  	_ =	shalt  }
0x55: {  	_ =	shalt  }
0x56: {  	_ =	shalt  }
0x57: {  	_ =	shalt  }
0x58: {  	_ =	shalt  }
0x59: {  	_ =	shalt  }
0x5a: {  	_ =	shalt  }
0x5b: {  	_ =	shalt  }
0x5c: {  	_ =	shalt  }
0x5d: {  	_ =	shalt  }
0x5e: {  	_ =	shalt  }
0x5f: {  	_ =	shalt  }
0x60: {  	_ =	shalt  }
0x61: {  	_ =	shalt  }
0x62: {  	_ =	shalt  }
0x63: {  	_ =	shalt  }
0x64: {  	_ =	shalt  }
0x65: {  	_ =	shalt  }
0x66: {  	_ =	shalt  }
0x67: {  	_ =	shalt  }
0x68: {  	_ =	shalt  }
0x69: {  	_ =	shalt  }
0x6a: {  	_ =	shalt  }
0x6b: {  	_ =	shalt  }
0x6c: {  	_ =	shalt  }
0x6d: {  	_ =	shalt  }
0x6e: {  	_ =	shalt  }
0x6f: {  	_ =	shalt  }
0x70: {  	_ =	shalt  }
0x71: {  	_ =	shalt  }
0x72: {  	_ =	shalt  }
0x73: {  	_ =	shalt  }
0x74: {  	_ =	shalt  }
0x75: {  	_ =	shalt  }
0x76: {  	_ =	shalt  }
0x77: {  	_ =	shalt  }
0x78: {  	_ =	shalt  }
0x79: {  	_ =	shalt  }
0x7a: {  	_ =	shalt  }
0x7b: {  	_ =	shalt  }
0x7c: {  	_ =	shalt  }
0x7d: {  	_ =	shalt  }
0x7e: {  	_ =	shalt  }
0x7f: {  	_ =	shalt  }
0x80: {  	_ =	shalt  }
0x81: {  	_ =	shalt  }
0x82: {  	_ =	shalt  }
0x83: {  	_ =	shalt  }
0x84: {  	_ =	shalt  }
0x85: {  	_ =	shalt  }
0x86: {  	_ =	shalt  }
0x87: {  	_ =	shalt  }
.Lfunc_end0:
.L_simem_size_0:
called_computation_lowered:
.L_overlay_start_0:
0x88: {  	s2 =	sld [smem:$0x3FD9]  }
0x89: {  	s3 =	sld [smem:$0x3FFE];
	_ =	sdelay $0x1  }
0x8a: {  	s1 =	srdreg.scid  }
0x8b: {  	s0 =	sand.u32 $0x1, s1  }
0x8c: {  	s17 =	sshll.u32 s0, $0xA;
	s2 =	sadd.s32 s3, s2  }
0x8d: {  	s2 =	sadd.s32 s2, s17  }
0x8e: {  	[smem:$0x3FC3] =	sst s2  }
0x8f: {  	_ = 	snop  }
0x90: {  	s2 =	sld [smem:$0x3FC9]  }
0x91: {  	s18 =	sld [smem:$0x3FC8]  }
0x92: {  	s4 =	sld [smem:$0x3FD0];
	(tm) =	ssettm $0x1  }
0x93: {  	s5 =	sld [smem:$0x3FFB];
	_ =	sdelay $0x3  }
0x94: {  	_ =	strace s5  }
0x95: {  	s5 =	sld [smem:$0x3FFC];
	_ =	sdelay $0x3  }
0x96: {  	_ =	strace s5  }
0x97: {  	s5 =	sld [smem:$0x3FFD];
	_ =	sdelay $0x3  }
0x98: {  	_ =	strace s5  }
0x99: {  	_ =	strace $0x8FFFFFFF  }
0x9a: {  	s19 =	sld [smem:$0x3FDB];
	_ =	sdelay $0x1  }
0x9b: {  	s6 =	simm.s32 $_scs_section_size  }
0x9c: {  	s7 =	simm.s32 $_size__tile_overlayer_lowered;
	s8 =	simm.s32 $_tile_overlayer_lowered  }
0x9d: {  	s22 =	simm.s32 $0x1BFF;
	s21 =	sshll.u32 s8, $0x1;
	s5 =	sadd.s32 s6, s19  }
0x9e: {  	s9 =	simm.s32 $0x0;
	s20 =	sshll.u32 s7, $0x1;
	s7 =	sadd.s32 s21, s5  }
0x9f: {  	[timem:s9], [sflag:s22] =	dma.local [hbm:s7], s20  }
0xa0: {  	_ =	swait.ge [sflag:s22], s20  }
0xa1: {  	s6 =	ssub.s32 $0x0, s20;
	[sflag:s22] =	ssyncset.done $0x0  }
0xa2: {  	[sflag:s22] =	ssyncadd.s32 s6;
	_ =	sdelay $0x1  }
0xa3: {  	s23 =	simm.s32 $0x1B8B  }
0xa4: {  	_ =	swait.ge [sflag:s23], $0x1  }
0xa5: {  	[sflag:s23] =	ssyncset.done $0x0  }
0xa6: {  	s25 =	simm.s32 $0x1B8E;
	s24 =	sld [smem:$0x3FFE];
	[sflag:s23] =	ssyncadd.s32 $0xFFFFFFFF  }
0xa7: {  	s26 =	simm.s32 $execute0_lowered;
	[smem:$0x3FD2] =	sst s25  }
0xa8: {  	s7 =	sshll.u32 s26, $0x1;
	_ =	strace $0x80000046;
	[dreg:$0x1] =	wrdreg $0xFFFFFFFF  }
0xa9: {  	s28 =	simm.s32 $_size_execute0_lowered;
	s5 =	sadd.s32 s5, s7;
	[dreg:$0x0] =	wrdreg $0x0  }
0xaa: {  	s7 =	sshll.u32 s28, $0x1;
	[dreg:$0x2] =	wrdreg s5  }
0xab: {  	[dreg:$0x3] =	wrdreg s7  }
0xac: {  	[dreg:$0x4] =	wrdreg $0xC0  }
0xad: {  	_ =	task [dreg:s9], $0x5FFFF  }
0xae: {  	[dreg:$0x1] =	wrdreg $0xFFFFFFFF  }
0xaf: {  	[dreg:$0x0] =	wrdreg $0x60  }
0xb0: {  	[dreg:$0x2] =	wrdreg s24  }
0xb1: {  	[dreg:$0x3] =	wrdreg s2  }
0xb2: {  	[dreg:$0x4] =	wrdreg s18  }
0xb3: {  	[dreg:$0x5] =	wrdreg s4  }
0xb4: {  	[dreg:$0x6] =	wrdreg $0x9  }
0xb5: {  	_ =	task.clear_ibuf [dreg:s9], $0x7FFFF;
	_ =	strace $0x90000046  }
0xb6: {  	s29 =	simm.s32 $0x9;
	_ =	strace $0x80000048  }
0xb7: {  	_ =	swait.ge [sflag:s29], $0x1  }
0xb8: {  	[sflag:s29] =	ssyncadd.s32 $0xFFFFFFFF  }
0xb9: {  	_ =	strace $0x90000048  }
0xba: {  	_ =	sfence  }
0xbb: {  	s30 =	sld [smem:$0x0];
	_ =	sdelay $0x2  }
0xbc: {  	s31 =	sshll.u32 s1, $0xD;
	s1 =	sshrl.u32 s1, $0x2  }
0xbd: {  	s3 =	sand.u32 $0x4000, s31;
	s1 =	sadd.s32 s1, s30  }
0xbe: {  	s0 =	sor.u32 s3, s0;
	s1 =	sshll.u32 s1, $0x11  }
0xbf: {  	s0 =	sor.u32 s1, s0  }
0xc0: {  	s0 =	sadd.s32 $0x8F2B, s0  }
0xc1: {  	[sflag:s0] =	ssyncadd.remote.s32 $0x1  }
0xc2: {  	_ =	sfence.sel $0xFFFF  }
0xc3: {  	[dreg:$0x0] =	wrdreg $0xFFFFFFFF;
	(pc) =	sbr.abs _section_cstart, $3  }
0xc4: {  	[dreg:$0x1] =	wrdreg $0xFFFFFFFF  }
0xc5: {  	_ =	task.clear_ibuf [dreg:s9], $0x2FFFF;
	_ =	strace $0x9FFFFFFF  }
0xc6: {  	(tm) =	ssettm $0x7FFFFFFF  }
0xc7: {  	_ =	shalt  }
tec
execute0_lowered:
.L_overlay_start_1:
0x0: {  	(tag) =	ssettag $0x1  }
0x1: {  	s4 =	rddreg [dreg:$0x0]  }
0x2: {  	s5 =	rddreg [dreg:$0x1]  }
0x3: {  	s6 =	rddreg [dreg:$0x2]  }
0x4: {  	s7 =	rddreg [dreg:$0x3]  }
0x5: {  	s0 =	rddreg [dreg:$0x4];
	s1 =	simm.s32 $0x0  }
0x6: {  	s8 =	srdreg.scid;
	s2 =	stileid.u32;
	s12 =	simm.s32 $0x400  }
0x7: {  	s13 =	simm.s32 $0x100;
	s14 =	simm.s32 $0x180;
	s15 =	simm.s32 $0x600  }
0x8: {  	[smem:$0x7FF] =	sst s1;
	s3 =	sadd.s32 $0xA00, s4;
	s8 =	sand.u32 $0x1, s8  }
0x9: {  	s10 =	sshll.u32 s2, $0x7;
	s4 =	sadd.s32 $0xC00, s4;
	s9 =	ssub.s32 $0x2, s8  }
0xa: {  	v0 =	vlaneseq.u32;
	_ =	strace $0x80000047;
	s8 =	sshll.u32 s8, $0x6;
	s11 =	sshrl.u32 s9, $0x1  }
0xb: {  	v0 =	vmul.u32 $0x4, v0;
	s8 =	sor.u32 s8, s10;
	s10 =	simm.s32 $0x80;
	s9 =	ssub.s32 s9, s11  }
0xc: {  	s5 =	sadd.s32 s5, s8;
	s6 =	sadd.s32 s6, s8;
	s7 =	sadd.s32 s7, s8  }
0xd: {  	v1 =	vor.u32 $0x1, v0;
	v2 =	vor.u32 $0x2, v0;
	v3 =	vor.u32 $0x3, v0;
	s11 =	simm.s32 $0x200;
	s8 =	smax.u32 s9, $0x1;
	s9 =	simm.s32 $0x1  }
.LBB2_1:
0xe: {  	[tilespmem:s1], [sflag:$0x1] =	stream.linear.gather [hbm4b:s3+s1], $0x80, $0x38;
	[tilespmem:$0x800] =	vst v63  }
0xf: {  	_ =	swait.ge [sflag:s9], $0x80  }
0x10: {  	[sflag:s9] =	ssyncset.done $0x0  }
0x11: {  	[sflag:s9] =	ssyncadd.s32 $0xFFFFFF80  }
0x12: {  	[tilespmem:s10], [sflag:$0x1] =	stream.linear.gather [hbm4b:s4+s1], $0x80, $0x38;
	[tilespmem:$0x800] =	vst v63  }
0x13: {  	_ =	swait.ge [sflag:s9], $0x80  }
0x14: {  	[sflag:s9] =	ssyncset.done $0x0  }
0x15: {  	[sflag:s9] =	ssyncadd.s32 $0xFFFFFF80  }
0x16: {  	[tilespmem:s11], [sflag:$0x1] =	stream.linear.gather [hbm4b:s5+s1], $0x200, $0x38;
	[tilespmem:$0x800] =	vst v63  }
0x17: {  	_ =	swait.ge [sflag:s9], $0x200  }
0x18: {  	[sflag:s9] =	ssyncset.done $0x0  }
0x19: {  	[sflag:s9] =	ssyncadd.s32 $0xFFFFFE00  }
0x1a: {  	[tilespmem:s12], [sflag:$0x1] =	stream.linear.gather [hbm4b:s6+s1], $0x200, $0x38;
	[tilespmem:$0x800] =	vst v63  }
0x1b: {  	_ =	swait.ge [sflag:s9], $0x200  }
0x1c: {  	[sflag:s9] =	ssyncset.done $0x0  }
0x1d: {  	[sflag:s9] =	ssyncadd.s32 $0xFFFFFE00  }
0x1e: {  	v4 =	vld [tilespmem:$0x80];
	_ =	sdelay $0x1  }
0x1f: {  	v5 =	vld.idx.msk [tilespmem:v0+s1+$0x0], $0xffff;
	_ =	sdelay $0x1  }
0x20: {  	v6 =	vld.idx.msk [tilespmem:v1+s1+$0x0], $0xffff  }
0x21: {  	v7 =	vbroadcast v4, $0x0  }
0x22: {  	v9 =	vld.idx.msk [tilespmem:v2+s1+$0x0], $0xffff;
	v8 =	vbroadcast v4, $0x4  }
0x23: {  	v10 =	vbroadcast v4, $0x1;
	v7 =	vmul.f32 v7, v5  }
0x24: {  	v11 =	vld.idx.msk [tilespmem:v3+s1+$0x0], $0xffff;
	v47 =	vbroadcast v4, $0x5;
	v5 =	vmul.f32 v8, v5  }
0x25: {  	v12 =	vbroadcast v4, $0x2;
	v10 =	vmul.f32 v6, v10;
	v7 =	vadd.f32 $0.0e+00, v7  }
0x26: {  	v48 =	vbroadcast v4, $0x6;
	v6 =	vmul.f32 v6, v47;
	v5 =	vadd.f32 $0.0e+00, v5  }
0x27: {  	v13 =	vld [tilespmem:$0x200];
	v50 =	vbroadcast v4, $0x3;
	v49 =	vmul.f32 v9, v12;
	v7 =	vadd.f32 v10, v7  }
0x28: {  	v53 =	vld [tilespmem:$0x400];
	v52 =	vbroadcast v4, $0x7;
	v51 =	vmul.f32 v9, v48;
	v5 =	vadd.f32 v6, v5  }
0x29: {  	v54 =	vmul.f32 v11, v50;
	v7 =	vadd.f32 v49, v7  }
0x2a: {  	v55 =	vmul.f32 v11, v52;
	v5 =	vadd.f32 v51, v5  }
0x2b: {  	v7 =	vadd.f32 v54, v7  }
0x2c: {  	v5 =	vadd.f32 v55, v5  }
0x2d: {  	[tilespmem:$0x100] =	vst v7  }
0x2e: {  	[tilespmem:$0x180] =	vst v5  }
0x2f: {  	v5 =	vld.idx.msk [tilespmem:v13+s13+$0x0], $0xffff  }
0x30: {  	v56 =	vld.idx.msk [tilespmem:v53+s14+$0x0], $0xffff;
	_ =	sdelay $0x4  }
0x31: {  	v4 =	vbroadcast v4, $0x8;
	v5 =	vadd.f32 v56, v5;
	_ =	sdelay $0x1  }
0x32: {  	v5 =	vadd.f32 v5, v4;
	_ =	sdelay $0x1  }
0x33: {  	v5 =	vsub.f32 $0.0e+00, v5;
	_ =	sdelay $0x1  }
0x34: {  	v5 =	vmul.f32 $1.442695020e+00, v5;
	_ =	sdelay $0x1  }
0x35: {  	(erf) = vpow2.f32 v5;
	_ =	sdelay $0x8  }
0x36: {  	v5 =	vpop (erf)  }
0x37: {  	v5 =	vadd.f32 $1.000000000e+00, v5;
	_ =	sdelay $0x1  }
0x38: {  	(erf) = vrcp.f32 v5;
	_ =	sdelay $0x2  }
0x39: {  	v5 =	vld [tilespmem:$0x210]  }
0x3a: {  	v57 =	vld [tilespmem:$0x410];
	_ =	sdelay $0x4  }
0x3b: {  	v58 =	vpop (erf)  }
0x3c: {  	[tilespmem:$0x600] =	vst v58  }
0x3d: {  	v5 =	vld.idx.msk [tilespmem:v5+s13+$0x0], $0xffff  }
0x3e: {  	v6 =	vld.idx.msk [tilespmem:v57+s14+$0x0], $0xffff;
	_ =	sdelay $0x4  }
0x3f: {  	v5 =	vadd.f32 v6, v5;
	_ =	sdelay $0x1  }
0x40: {  	v5 =	vadd.f32 v5, v4;
	_ =	sdelay $0x1  }
0x41: {  	v5 =	vsub.f32 $0.0e+00, v5;
	_ =	sdelay $0x1  }
0x42: {  	v5 =	vmul.f32 $1.442695020e+00, v5;
	_ =	sdelay $0x1  }
0x43: {  	(erf) = vpow2.f32 v5;
	_ =	sdelay $0x8  }
0x44: {  	v5 =	vpop (erf)  }
0x45: {  	v5 =	vadd.f32 $1.000000000e+00, v5;
	_ =	sdelay $0x1  }
0x46: {  	(erf) = vrcp.f32 v5;
	_ =	sdelay $0x2  }
0x47: {  	v5 =	vld [tilespmem:$0x220]  }
0x48: {  	v59 =	vld [tilespmem:$0x420];
	_ =	sdelay $0x4  }
0x49: {  	v60 =	vpop (erf)  }
0x4a: {  	[tilespmem:$0x610] =	vst v60  }
0x4b: {  	v5 =	vld.idx.msk [tilespmem:v5+s13+$0x0], $0xffff  }
0x4c: {  	v6 =	vld.idx.msk [tilespmem:v59+s14+$0x0], $0xffff;
	_ =	sdelay $0x4  }
0x4d: {  	v5 =	vadd.f32 v6, v5;
	_ =	sdelay $0x1  }
0x4e: {  	v5 =	vadd.f32 v5, v4;
	_ =	sdelay $0x1  }
0x4f: {  	v5 =	vsub.f32 $0.0e+00, v5;
	_ =	sdelay $0x1  }
0x50: {  	v5 =	vmul.f32 $1.442695020e+00, v5;
	_ =	sdelay $0x1  }
0x51: {  	(erf) = vpow2.f32 v5;
	_ =	sdelay $0x8  }
0x52: {  	v5 =	vpop (erf)  }
0x53: {  	v5 =	vadd.f32 $1.000000000e+00, v5;
	_ =	sdelay $0x1  }
0x54: {  	(erf) = vrcp.f32 v5;
	_ =	sdelay $0x2  }
0x55: {  	v5 =	vld [tilespmem:$0x230]  }
0x56: {  	v61 =	vld [tilespmem:$0x430];
	_ =	sdelay $0x4  }
0x57: {  	v62 =	vpop (erf)  }
0x58: {  	[tilespmem:$0x620] =	vst v62  }
0x59: {  	v5 =	vld.idx.msk [tilespmem:v5+s13+$0x0], $0xffff  }
0x5a: {  	v6 =	vld.idx.msk [tilespmem:v61+s14+$0x0], $0xffff;
	_ =	sdelay $0x4  }
0x5b: {  	v5 =	vadd.f32 v6, v5;
	_ =	sdelay $0x1  }
0x5c: {  	v5 =	vadd.f32 v5, v4;
	_ =	sdelay $0x1  }
0x5d: {  	v5 =	vsub.f32 $0.0e+00, v5;
	_ =	sdelay $0x1  }
0x5e: {  	v5 =	vmul.f32 $1.442695020e+00, v5;
	_ =	sdelay $0x1  }
0x5f: {  	(erf) = vpow2.f32 v5;
	_ =	sdelay $0x8  }
0x60: {  	v5 =	vpop (erf)  }
0x61: {  	v5 =	vadd.f32 $1.000000000e+00, v5;
	_ =	sdelay $0x1  }
0x62: {  	(erf) = vrcp.f32 v5;
	_ =	sdelay $0x2  }
0x63: {  	v5 =	vld [tilespmem:$0x240]  }
0x64: {  	v63 =	vld [tilespmem:$0x440];
	_ =	sdelay $0x4  }
0x65: {  	v9 =	vpop (erf)  }
0x66: {  	[tilespmem:$0x630] =	vst v9  }
0x67: {  	v5 =	vld.idx.msk [tilespmem:v5+s13+$0x0], $0xffff  }
0x68: {  	v6 =	vld.idx.msk [tilespmem:v63+s14+$0x0], $0xffff;
	_ =	sdelay $0x4  }
0x69: {  	v5 =	vadd.f32 v6, v5;
	_ =	sdelay $0x1  }
0x6a: {  	v5 =	vadd.f32 v5, v4;
	_ =	sdelay $0x1  }
0x6b: {  	v5 =	vsub.f32 $0.0e+00, v5;
	_ =	sdelay $0x1  }
0x6c: {  	v5 =	vmul.f32 $1.442695020e+00, v5;
	_ =	sdelay $0x1  }
0x6d: {  	(erf) = vpow2.f32 v5;
	_ =	sdelay $0x8  }
0x6e: {  	v5 =	vpop (erf)  }
0x6f: {  	v5 =	vadd.f32 $1.000000000e+00, v5;
	_ =	sdelay $0x1  }
0x70: {  	(erf) = vrcp.f32 v5;
	_ =	sdelay $0x2  }
0x71: {  	v5 =	vld [tilespmem:$0x250]  }
0x72: {  	v10 =	vld [tilespmem:$0x450];
	_ =	sdelay $0x4  }
0x73: {  	v11 =	vpop (erf)  }
0x74: {  	[tilespmem:$0x640] =	vst v11  }
0x75: {  	v5 =	vld.idx.msk [tilespmem:v5+s13+$0x0], $0xffff  }
0x76: {  	v6 =	vld.idx.msk [tilespmem:v10+s14+$0x0], $0xffff;
	_ =	sdelay $0x4  }
0x77: {  	v5 =	vadd.f32 v6, v5;
	_ =	sdelay $0x1  }
0x78: {  	v5 =	vadd.f32 v5, v4;
	_ =	sdelay $0x1  }
0x79: {  	v5 =	vsub.f32 $0.0e+00, v5;
	_ =	sdelay $0x1  }
0x7a: {  	v5 =	vmul.f32 $1.442695020e+00, v5;
	_ =	sdelay $0x1  }
0x7b: {  	(erf) = vpow2.f32 v5;
	_ =	sdelay $0x8  }
0x7c: {  	v5 =	vpop (erf)  }
0x7d: {  	v5 =	vadd.f32 $1.000000000e+00, v5;
	_ =	sdelay $0x1  }
0x7e: {  	(erf) = vrcp.f32 v5;
	_ =	sdelay $0x2  }
0x7f: {  	v5 =	vld [tilespmem:$0x260]  }
0x80: {  	v12 =	vld [tilespmem:$0x460];
	_ =	sdelay $0x4  }
0x81: {  	v13 =	vpop (erf)  }
0x82: {  	[tilespmem:$0x650] =	vst v13  }
0x83: {  	v5 =	vld.idx.msk [tilespmem:v5+s13+$0x0], $0xffff  }
0x84: {  	v6 =	vld.idx.msk [tilespmem:v12+s14+$0x0], $0xffff;
	_ =	sdelay $0x4  }
0x85: {  	v5 =	vadd.f32 v6, v5;
	_ =	sdelay $0x1  }
0x86: {  	v5 =	vadd.f32 v5, v4;
	_ =	sdelay $0x1  }
0x87: {  	v5 =	vsub.f32 $0.0e+00, v5;
	_ =	sdelay $0x1  }
0x88: {  	v5 =	vmul.f32 $1.442695020e+00, v5;
	_ =	sdelay $0x1  }
0x89: {  	(erf) = vpow2.f32 v5;
	_ =	sdelay $0x8  }
0x8a: {  	v5 =	vpop (erf)  }
0x8b: {  	v5 =	vadd.f32 $1.000000000e+00, v5;
	_ =	sdelay $0x1  }
0x8c: {  	(erf) = vrcp.f32 v5;
	_ =	sdelay $0x2  }
0x8d: {  	v5 =	vld [tilespmem:$0x270]  }
0x8e: {  	v14 =	vld [tilespmem:$0x470];
	_ =	sdelay $0x4  }
0x8f: {  	v15 =	vpop (erf)  }
0x90: {  	[tilespmem:$0x660] =	vst v15  }
0x91: {  	v5 =	vld.idx.msk [tilespmem:v5+s13+$0x0], $0xffff  }
0x92: {  	v6 =	vld.idx.msk [tilespmem:v14+s14+$0x0], $0xffff;
	_ =	sdelay $0x4  }
0x93: {  	v5 =	vadd.f32 v6, v5;
	_ =	sdelay $0x1  }
0x94: {  	v5 =	vadd.f32 v5, v4;
	_ =	sdelay $0x1  }
0x95: {  	v5 =	vsub.f32 $0.0e+00, v5;
	_ =	sdelay $0x1  }
0x96: {  	v5 =	vmul.f32 $1.442695020e+00, v5;
	_ =	sdelay $0x1  }
0x97: {  	(erf) = vpow2.f32 v5;
	_ =	sdelay $0x8  }
0x98: {  	v5 =	vpop (erf)  }
0x99: {  	v5 =	vadd.f32 $1.000000000e+00, v5;
	_ =	sdelay $0x1  }
0x9a: {  	(erf) = vrcp.f32 v5;
	_ =	sdelay $0x2  }
0x9b: {  	v5 =	vld [tilespmem:$0x280]  }
0x9c: {  	v16 =	vld [tilespmem:$0x480];
	_ =	sdelay $0x4  }
0x9d: {  	v17 =	vpop (erf)  }
0x9e: {  	[tilespmem:$0x670] =	vst v17  }
0x9f: {  	v5 =	vld.idx.msk [tilespmem:v5+s13+$0x0], $0xffff  }
0xa0: {  	v6 =	vld.idx.msk [tilespmem:v16+s14+$0x0], $0xffff;
	_ =	sdelay $0x4  }
0xa1: {  	v5 =	vadd.f32 v6, v5;
	_ =	sdelay $0x1  }
0xa2: {  	v5 =	vadd.f32 v5, v4;
	_ =	sdelay $0x1  }
0xa3: {  	v5 =	vsub.f32 $0.0e+00, v5;
	_ =	sdelay $0x1  }
0xa4: {  	v5 =	vmul.f32 $1.442695020e+00, v5;
	_ =	sdelay $0x1  }
0xa5: {  	(erf) = vpow2.f32 v5;
	_ =	sdelay $0x8  }
0xa6: {  	v5 =	vpop (erf)  }
0xa7: {  	v5 =	vadd.f32 $1.000000000e+00, v5;
	_ =	sdelay $0x1  }
0xa8: {  	(erf) = vrcp.f32 v5;
	_ =	sdelay $0x2  }
0xa9: {  	v5 =	vld [tilespmem:$0x290]  }
0xaa: {  	v18 =	vld [tilespmem:$0x490];
	_ =	sdelay $0x4  }
0xab: {  	v19 =	vpop (erf)  }
0xac: {  	[tilespmem:$0x680] =	vst v19  }
0xad: {  	v5 =	vld.idx.msk [tilespmem:v5+s13+$0x0], $0xffff  }
0xae: {  	v6 =	vld.idx.msk [tilespmem:v18+s14+$0x0], $0xffff;
	_ =	sdelay $0x4  }
0xaf: {  	v5 =	vadd.f32 v6, v5;
	_ =	sdelay $0x1  }
0xb0: {  	v5 =	vadd.f32 v5, v4;
	_ =	sdelay $0x1  }
0xb1: {  	v5 =	vsub.f32 $0.0e+00, v5;
	_ =	sdelay $0x1  }
0xb2: {  	v5 =	vmul.f32 $1.442695020e+00, v5;
	_ =	sdelay $0x1  }
0xb3: {  	(erf) = vpow2.f32 v5;
	_ =	sdelay $0x8  }
0xb4: {  	v5 =	vpop (erf)  }
0xb5: {  	v5 =	vadd.f32 $1.000000000e+00, v5;
	_ =	sdelay $0x1  }
0xb6: {  	(erf) = vrcp.f32 v5;
	_ =	sdelay $0x2  }
0xb7: {  	v5 =	vld [tilespmem:$0x2A0]  }
0xb8: {  	v20 =	vld [tilespmem:$0x4A0];
	_ =	sdelay $0x4  }
0xb9: {  	v21 =	vpop (erf)  }
0xba: {  	[tilespmem:$0x690] =	vst v21  }
0xbb: {  	v5 =	vld.idx.msk [tilespmem:v5+s13+$0x0], $0xffff  }
0xbc: {  	v6 =	vld.idx.msk [tilespmem:v20+s14+$0x0], $0xffff;
	_ =	sdelay $0x4  }
0xbd: {  	v5 =	vadd.f32 v6, v5;
	_ =	sdelay $0x1  }
0xbe: {  	v5 =	vadd.f32 v5, v4;
	_ =	sdelay $0x1  }
0xbf: {  	v5 =	vsub.f32 $0.0e+00, v5;
	_ =	sdelay $0x1  }
0xc0: {  	v5 =	vmul.f32 $1.442695020e+00, v5;
	_ =	sdelay $0x1  }
0xc1: {  	(erf) = vpow2.f32 v5;
	_ =	sdelay $0x8  }
0xc2: {  	v5 =	vpop (erf)  }
0xc3: {  	v5 =	vadd.f32 $1.000000000e+00, v5;
	_ =	sdelay $0x1  }
0xc4: {  	(erf) = vrcp.f32 v5;
	_ =	sdelay $0x2  }
0xc5: {  	v5 =	vld [tilespmem:$0x2B0]  }
0xc6: {  	v22 =	vld [tilespmem:$0x4B0];
	_ =	sdelay $0x4  }
0xc7: {  	v23 =	vpop (erf)  }
0xc8: {  	[tilespmem:$0x6A0] =	vst v23  }
0xc9: {  	v5 =	vld.idx.msk [tilespmem:v5+s13+$0x0], $0xffff  }
0xca: {  	v6 =	vld.idx.msk [tilespmem:v22+s14+$0x0], $0xffff;
	_ =	sdelay $0x4  }
0xcb: {  	v5 =	vadd.f32 v6, v5;
	_ =	sdelay $0x1  }
0xcc: {  	v5 =	vadd.f32 v5, v4;
	_ =	sdelay $0x1  }
0xcd: {  	v5 =	vsub.f32 $0.0e+00, v5;
	_ =	sdelay $0x1  }
0xce: {  	v5 =	vmul.f32 $1.442695020e+00, v5;
	_ =	sdelay $0x1  }
0xcf: {  	(erf) = vpow2.f32 v5;
	_ =	sdelay $0x8  }
0xd0: {  	v5 =	vpop (erf)  }
0xd1: {  	v5 =	vadd.f32 $1.000000000e+00, v5;
	_ =	sdelay $0x1  }
0xd2: {  	(erf) = vrcp.f32 v5;
	_ =	sdelay $0x2  }
0xd3: {  	v5 =	vld [tilespmem:$0x2C0]  }
0xd4: {  	v24 =	vld [tilespmem:$0x4C0];
	_ =	sdelay $0x4  }
0xd5: {  	v25 =	vpop (erf)  }
0xd6: {  	[tilespmem:$0x6B0] =	vst v25  }
0xd7: {  	v5 =	vld.idx.msk [tilespmem:v5+s13+$0x0], $0xffff  }
0xd8: {  	v6 =	vld.idx.msk [tilespmem:v24+s14+$0x0], $0xffff;
	_ =	sdelay $0x4  }
0xd9: {  	v5 =	vadd.f32 v6, v5;
	_ =	sdelay $0x1  }
0xda: {  	v5 =	vadd.f32 v5, v4;
	_ =	sdelay $0x1  }
0xdb: {  	v5 =	vsub.f32 $0.0e+00, v5;
	_ =	sdelay $0x1  }
0xdc: {  	v5 =	vmul.f32 $1.442695020e+00, v5;
	_ =	sdelay $0x1  }
0xdd: {  	(erf) = vpow2.f32 v5;
	_ =	sdelay $0x8  }
0xde: {  	v5 =	vpop (erf)  }
0xdf: {  	v5 =	vadd.f32 $1.000000000e+00, v5;
	_ =	sdelay $0x1  }
0xe0: {  	(erf) = vrcp.f32 v5;
	_ =	sdelay $0x2  }
0xe1: {  	v5 =	vld [tilespmem:$0x2D0]  }
0xe2: {  	v26 =	vld [tilespmem:$0x4D0];
	_ =	sdelay $0x4  }
0xe3: {  	v27 =	vpop (erf)  }
0xe4: {  	[tilespmem:$0x6C0] =	vst v27  }
0xe5: {  	v5 =	vld.idx.msk [tilespmem:v5+s13+$0x0], $0xffff  }
0xe6: {  	v6 =	vld.idx.msk [tilespmem:v26+s14+$0x0], $0xffff;
	_ =	sdelay $0x4  }
0xe7: {  	v5 =	vadd.f32 v6, v5;
	_ =	sdelay $0x1  }
0xe8: {  	v5 =	vadd.f32 v5, v4;
	_ =	sdelay $0x1  }
0xe9: {  	v5 =	vsub.f32 $0.0e+00, v5;
	_ =	sdelay $0x1  }
0xea: {  	v5 =	vmul.f32 $1.442695020e+00, v5;
	_ =	sdelay $0x1  }
0xeb: {  	(erf) = vpow2.f32 v5;
	_ =	sdelay $0x8  }
0xec: {  	v5 =	vpop (erf)  }
0xed: {  	v5 =	vadd.f32 $1.000000000e+00, v5;
	_ =	sdelay $0x1  }
0xee: {  	(erf) = vrcp.f32 v5;
	_ =	sdelay $0x2  }
0xef: {  	v5 =	vld [tilespmem:$0x2E0]  }
0xf0: {  	v28 =	vld [tilespmem:$0x4E0];
	_ =	sdelay $0x4  }
0xf1: {  	v29 =	vpop (erf)  }
0xf2: {  	[tilespmem:$0x6D0] =	vst v29  }
0xf3: {  	v5 =	vld.idx.msk [tilespmem:v5+s13+$0x0], $0xffff  }
0xf4: {  	v6 =	vld.idx.msk [tilespmem:v28+s14+$0x0], $0xffff;
	_ =	sdelay $0x4  }
0xf5: {  	v5 =	vadd.f32 v6, v5;
	_ =	sdelay $0x1  }
0xf6: {  	v5 =	vadd.f32 v5, v4;
	_ =	sdelay $0x1  }
0xf7: {  	v5 =	vsub.f32 $0.0e+00, v5;
	_ =	sdelay $0x1  }
0xf8: {  	v5 =	vmul.f32 $1.442695020e+00, v5;
	_ =	sdelay $0x1  }
0xf9: {  	(erf) = vpow2.f32 v5;
	_ =	sdelay $0x8  }
0xfa: {  	v5 =	vpop (erf)  }
0xfb: {  	v5 =	vadd.f32 $1.000000000e+00, v5;
	_ =	sdelay $0x1  }
0xfc: {  	(erf) = vrcp.f32 v5;
	_ =	sdelay $0x2  }
0xfd: {  	v5 =	vld [tilespmem:$0x2F0]  }
0xfe: {  	v30 =	vld [tilespmem:$0x4F0];
	_ =	sdelay $0x4  }
0xff: {  	v31 =	vpop (erf)  }
0x100: {  	[tilespmem:$0x6E0] =	vst v31  }
0x101: {  	v5 =	vld.idx.msk [tilespmem:v5+s13+$0x0], $0xffff  }
0x102: {  	v6 =	vld.idx.msk [tilespmem:v30+s14+$0x0], $0xffff;
	_ =	sdelay $0x4  }
0x103: {  	v5 =	vadd.f32 v6, v5;
	_ =	sdelay $0x1  }
0x104: {  	v5 =	vadd.f32 v5, v4;
	_ =	sdelay $0x1  }
0x105: {  	v5 =	vsub.f32 $0.0e+00, v5;
	_ =	sdelay $0x1  }
0x106: {  	v5 =	vmul.f32 $1.442695020e+00, v5;
	_ =	sdelay $0x1  }
0x107: {  	(erf) = vpow2.f32 v5;
	_ =	sdelay $0x8  }
0x108: {  	v5 =	vpop (erf)  }
0x109: {  	v5 =	vadd.f32 $1.000000000e+00, v5;
	_ =	sdelay $0x1  }
0x10a: {  	(erf) = vrcp.f32 v5;
	_ =	sdelay $0x2  }
0x10b: {  	v5 =	vld [tilespmem:$0x300]  }
0x10c: {  	v32 =	vld [tilespmem:$0x500];
	_ =	sdelay $0x4  }
0x10d: {  	v33 =	vpop (erf)  }
0x10e: {  	[tilespmem:$0x6F0] =	vst v33  }
0x10f: {  	v5 =	vld.idx.msk [tilespmem:v5+s13+$0x0], $0xffff  }
0x110: {  	v6 =	vld.idx.msk [tilespmem:v32+s14+$0x0], $0xffff;
	_ =	sdelay $0x4  }
0x111: {  	v5 =	vadd.f32 v6, v5;
	_ =	sdelay $0x1  }
0x112: {  	v5 =	vadd.f32 v5, v4;
	_ =	sdelay $0x1  }
0x113: {  	v5 =	vsub.f32 $0.0e+00, v5;
	_ =	sdelay $0x1  }
0x114: {  	v5 =	vmul.f32 $1.442695020e+00, v5;
	_ =	sdelay $0x1  }
0x115: {  	(erf) = vpow2.f32 v5;
	_ =	sdelay $0x8  }
0x116: {  	v5 =	vpop (erf)  }
0x117: {  	v5 =	vadd.f32 $1.000000000e+00, v5;
	_ =	sdelay $0x1  }
0x118: {  	(erf) = vrcp.f32 v5;
	_ =	sdelay $0x2  }
0x119: {  	v5 =	vld [tilespmem:$0x310]  }
0x11a: {  	v34 =	vld [tilespmem:$0x510];
	_ =	sdelay $0x4  }
0x11b: {  	v35 =	vpop (erf)  }
0x11c: {  	[tilespmem:$0x700] =	vst v35  }
0x11d: {  	v5 =	vld.idx.msk [tilespmem:v5+s13+$0x0], $0xffff  }
0x11e: {  	v6 =	vld.idx.msk [tilespmem:v34+s14+$0x0], $0xffff;
	_ =	sdelay $0x4  }
0x11f: {  	v5 =	vadd.f32 v6, v5;
	_ =	sdelay $0x1  }
0x120: {  	v5 =	vadd.f32 v5, v4;
	_ =	sdelay $0x1  }
0x121: {  	v5 =	vsub.f32 $0.0e+00, v5;
	_ =	sdelay $0x1  }
0x122: {  	v5 =	vmul.f32 $1.442695020e+00, v5;
	_ =	sdelay $0x1  }
0x123: {  	(erf) = vpow2.f32 v5;
	_ =	sdelay $0x8  }
0x124: {  	v5 =	vpop (erf)  }
0x125: {  	v5 =	vadd.f32 $1.000000000e+00, v5;
	_ =	sdelay $0x1  }
0x126: {  	(erf) = vrcp.f32 v5;
	_ =	sdelay $0x2  }
0x127: {  	v5 =	vld [tilespmem:$0x320]  }
0x128: {  	v36 =	vld [tilespmem:$0x520];
	_ =	sdelay $0x4  }
0x129: {  	v37 =	vpop (erf)  }
0x12a: {  	[tilespmem:$0x710] =	vst v37  }
0x12b: {  	v5 =	vld.idx.msk [tilespmem:v5+s13+$0x0], $0xffff  }
0x12c: {  	v6 =	vld.idx.msk [tilespmem:v36+s14+$0x0], $0xffff;
	_ =	sdelay $0x4  }
0x12d: {  	v5 =	vadd.f32 v6, v5;
	_ =	sdelay $0x1  }
0x12e: {  	v5 =	vadd.f32 v5, v4;
	_ =	sdelay $0x1  }
0x12f: {  	v5 =	vsub.f32 $0.0e+00, v5;
	_ =	sdelay $0x1  }
0x130: {  	v5 =	vmul.f32 $1.442695020e+00, v5;
	_ =	sdelay $0x1  }
0x131: {  	(erf) = vpow2.f32 v5;
	_ =	sdelay $0x8  }
0x132: {  	v5 =	vpop (erf)  }
0x133: {  	v5 =	vadd.f32 $1.000000000e+00, v5;
	_ =	sdelay $0x1  }
0x134: {  	(erf) = vrcp.f32 v5;
	_ =	sdelay $0x2  }
0x135: {  	v5 =	vld [tilespmem:$0x330]  }
0x136: {  	v38 =	vld [tilespmem:$0x530];
	_ =	sdelay $0x4  }
0x137: {  	v39 =	vpop (erf)  }
0x138: {  	[tilespmem:$0x720] =	vst v39  }
0x139: {  	v5 =	vld.idx.msk [tilespmem:v5+s13+$0x0], $0xffff  }
0x13a: {  	v6 =	vld.idx.msk [tilespmem:v38+s14+$0x0], $0xffff;
	_ =	sdelay $0x4  }
0x13b: {  	v5 =	vadd.f32 v6, v5;
	_ =	sdelay $0x1  }
0x13c: {  	v5 =	vadd.f32 v5, v4;
	_ =	sdelay $0x1  }
0x13d: {  	v5 =	vsub.f32 $0.0e+00, v5;
	_ =	sdelay $0x1  }
0x13e: {  	v5 =	vmul.f32 $1.442695020e+00, v5;
	_ =	sdelay $0x1  }
0x13f: {  	(erf) = vpow2.f32 v5;
	_ =	sdelay $0x8  }
0x140: {  	v5 =	vpop (erf)  }
0x141: {  	v5 =	vadd.f32 $1.000000000e+00, v5;
	_ =	sdelay $0x1  }
0x142: {  	(erf) = vrcp.f32 v5;
	_ =	sdelay $0x2  }
0x143: {  	v5 =	vld [tilespmem:$0x340]  }
0x144: {  	v40 =	vld [tilespmem:$0x540];
	_ =	sdelay $0x4  }
0x145: {  	v41 =	vpop (erf)  }
0x146: {  	[tilespmem:$0x730] =	vst v41  }
0x147: {  	v5 =	vld.idx.msk [tilespmem:v5+s13+$0x0], $0xffff  }
0x148: {  	v6 =	vld.idx.msk [tilespmem:v40+s14+$0x0], $0xffff;
	_ =	sdelay $0x4  }
0x149: {  	v5 =	vadd.f32 v6, v5;
	_ =	sdelay $0x1  }
0x14a: {  	v5 =	vadd.f32 v5, v4;
	_ =	sdelay $0x1  }
0x14b: {  	v5 =	vsub.f32 $0.0e+00, v5;
	_ =	sdelay $0x1  }
0x14c: {  	v5 =	vmul.f32 $1.442695020e+00, v5;
	_ =	sdelay $0x1  }
0x14d: {  	(erf) = vpow2.f32 v5;
	_ =	sdelay $0x8  }
0x14e: {  	v5 =	vpop (erf)  }
0x14f: {  	v5 =	vadd.f32 $1.000000000e+00, v5;
	_ =	sdelay $0x1  }
0x150: {  	(erf) = vrcp.f32 v5;
	_ =	sdelay $0x2  }
0x151: {  	v5 =	vld [tilespmem:$0x350]  }
0x152: {  	v42 =	vld [tilespmem:$0x550];
	_ =	sdelay $0x4  }
0x153: {  	v43 =	vpop (erf)  }
0x154: {  	[tilespmem:$0x740] =	vst v43  }
0x155: {  	v5 =	vld.idx.msk [tilespmem:v5+s13+$0x0], $0xffff  }
0x156: {  	v6 =	vld.idx.msk [tilespmem:v42+s14+$0x0], $0xffff;
	_ =	sdelay $0x4  }
0x157: {  	v5 =	vadd.f32 v6, v5;
	_ =	sdelay $0x1  }
0x158: {  	v5 =	vadd.f32 v5, v4;
	_ =	sdelay $0x1  }
0x159: {  	v5 =	vsub.f32 $0.0e+00, v5;
	_ =	sdelay $0x1  }
0x15a: {  	v5 =	vmul.f32 $1.442695020e+00, v5;
	_ =	sdelay $0x1  }
0x15b: {  	(erf) = vpow2.f32 v5;
	_ =	sdelay $0x8  }
0x15c: {  	v5 =	vpop (erf)  }
0x15d: {  	v5 =	vadd.f32 $1.000000000e+00, v5;
	_ =	sdelay $0x1  }
0x15e: {  	(erf) = vrcp.f32 v5;
	_ =	sdelay $0x2  }
0x15f: {  	v5 =	vld [tilespmem:$0x360]  }
0x160: {  	v44 =	vld [tilespmem:$0x560];
	_ =	sdelay $0x4  }
0x161: {  	v45 =	vpop (erf)  }
0x162: {  	[tilespmem:$0x750] =	vst v45  }
0x163: {  	v5 =	vld.idx.msk [tilespmem:v5+s13+$0x0], $0xffff  }
0x164: {  	v6 =	vld.idx.msk [tilespmem:v44+s14+$0x0], $0xffff;
	_ =	sdelay $0x4  }
0x165: {  	v5 =	vadd.f32 v6, v5;
	_ =	sdelay $0x1  }
0x166: {  	v5 =	vadd.f32 v5, v4;
	_ =	sdelay $0x1  }
0x167: {  	v5 =	vsub.f32 $0.0e+00, v5;
	_ =	sdelay $0x1  }
0x168: {  	v5 =	vmul.f32 $1.442695020e+00, v5;
	_ =	sdelay $0x1  }
0x169: {  	(erf) = vpow2.f32 v5;
	_ =	sdelay $0x8  }
0x16a: {  	v5 =	vpop (erf)  }
0x16b: {  	v5 =	vadd.f32 $1.000000000e+00, v5;
	_ =	sdelay $0x1  }
0x16c: {  	(erf) = vrcp.f32 v5;
	_ =	sdelay $0x2  }
0x16d: {  	v5 =	vld [tilespmem:$0x370]  }
0x16e: {  	v46 =	vld [tilespmem:$0x570];
	_ =	sdelay $0x4  }
0x16f: {  	v47 =	vpop (erf)  }
0x170: {  	[tilespmem:$0x760] =	vst v47  }
0x171: {  	v5 =	vld.idx.msk [tilespmem:v5+s13+$0x0], $0xffff  }
0x172: {  	v6 =	vld.idx.msk [tilespmem:v46+s14+$0x0], $0xffff;
	_ =	sdelay $0x4  }
0x173: {  	v5 =	vadd.f32 v6, v5;
	_ =	sdelay $0x1  }
0x174: {  	v5 =	vadd.f32 v5, v4;
	_ =	sdelay $0x1  }
0x175: {  	v5 =	vsub.f32 $0.0e+00, v5;
	_ =	sdelay $0x1  }
0x176: {  	v5 =	vmul.f32 $1.442695020e+00, v5;
	_ =	sdelay $0x1  }
0x177: {  	(erf) = vpow2.f32 v5;
	_ =	sdelay $0x8  }
0x178: {  	v5 =	vpop (erf)  }
0x179: {  	v5 =	vadd.f32 $1.000000000e+00, v5;
	_ =	sdelay $0x1  }
0x17a: {  	(erf) = vrcp.f32 v5;
	_ =	sdelay $0x2  }
0x17b: {  	v5 =	vld [tilespmem:$0x380]  }
0x17c: {  	v48 =	vld [tilespmem:$0x580];
	_ =	sdelay $0x4  }
0x17d: {  	v49 =	vpop (erf)  }
0x17e: {  	[tilespmem:$0x770] =	vst v49  }
0x17f: {  	v5 =	vld.idx.msk [tilespmem:v5+s13+$0x0], $0xffff  }
0x180: {  	v6 =	vld.idx.msk [tilespmem:v48+s14+$0x0], $0xffff;
	_ =	sdelay $0x4  }
0x181: {  	v5 =	vadd.f32 v6, v5;
	_ =	sdelay $0x1  }
0x182: {  	v5 =	vadd.f32 v5, v4;
	_ =	sdelay $0x1  }
0x183: {  	v5 =	vsub.f32 $0.0e+00, v5;
	_ =	sdelay $0x1  }
0x184: {  	v5 =	vmul.f32 $1.442695020e+00, v5;
	_ =	sdelay $0x1  }
0x185: {  	(erf) = vpow2.f32 v5;
	_ =	sdelay $0x8  }
0x186: {  	v5 =	vpop (erf)  }
0x187: {  	v5 =	vadd.f32 $1.000000000e+00, v5;
	_ =	sdelay $0x1  }
0x188: {  	(erf) = vrcp.f32 v5;
	_ =	sdelay $0x2  }
0x189: {  	v5 =	vld [tilespmem:$0x390]  }
0x18a: {  	v50 =	vld [tilespmem:$0x590];
	_ =	sdelay $0x4  }
0x18b: {  	v51 =	vpop (erf)  }
0x18c: {  	[tilespmem:$0x780] =	vst v51  }
0x18d: {  	v5 =	vld.idx.msk [tilespmem:v5+s13+$0x0], $0xffff  }
0x18e: {  	v6 =	vld.idx.msk [tilespmem:v50+s14+$0x0], $0xffff;
	_ =	sdelay $0x4  }
0x18f: {  	v5 =	vadd.f32 v6, v5;
	_ =	sdelay $0x1  }
0x190: {  	v5 =	vadd.f32 v5, v4;
	_ =	sdelay $0x1  }
0x191: {  	v5 =	vsub.f32 $0.0e+00, v5;
	_ =	sdelay $0x1  }
0x192: {  	v5 =	vmul.f32 $1.442695020e+00, v5;
	_ =	sdelay $0x1  }
0x193: {  	(erf) = vpow2.f32 v5;
	_ =	sdelay $0x8  }
0x194: {  	v5 =	vpop (erf)  }
0x195: {  	v5 =	vadd.f32 $1.000000000e+00, v5;
	_ =	sdelay $0x1  }
0x196: {  	(erf) = vrcp.f32 v5;
	_ =	sdelay $0x2  }
0x197: {  	v5 =	vld [tilespmem:$0x3A0]  }
0x198: {  	v52 =	vld [tilespmem:$0x5A0];
	_ =	sdelay $0x4  }
0x199: {  	v53 =	vpop (erf)  }
0x19a: {  	[tilespmem:$0x790] =	vst v53  }
0x19b: {  	v5 =	vld.idx.msk [tilespmem:v5+s13+$0x0], $0xffff  }
0x19c: {  	v6 =	vld.idx.msk [tilespmem:v52+s14+$0x0], $0xffff;
	_ =	sdelay $0x4  }
0x19d: {  	v5 =	vadd.f32 v6, v5;
	_ =	sdelay $0x1  }
0x19e: {  	v5 =	vadd.f32 v5, v4;
	_ =	sdelay $0x1  }
0x19f: {  	v5 =	vsub.f32 $0.0e+00, v5;
	_ =	sdelay $0x1  }
0x1a0: {  	v5 =	vmul.f32 $1.442695020e+00, v5;
	_ =	sdelay $0x1  }
0x1a1: {  	(erf) = vpow2.f32 v5;
	_ =	sdelay $0x8  }
0x1a2: {  	v5 =	vpop (erf)  }
0x1a3: {  	v5 =	vadd.f32 $1.000000000e+00, v5;
	_ =	sdelay $0x1  }
0x1a4: {  	(erf) = vrcp.f32 v5;
	_ =	sdelay $0x2  }
0x1a5: {  	v5 =	vld [tilespmem:$0x3B0]  }
0x1a6: {  	v54 =	vld [tilespmem:$0x5B0];
	_ =	sdelay $0x4  }
0x1a7: {  	v55 =	vpop (erf)  }
0x1a8: {  	[tilespmem:$0x7A0] =	vst v55  }
0x1a9: {  	v5 =	vld.idx.msk [tilespmem:v5+s13+$0x0], $0xffff  }
0x1aa: {  	v6 =	vld.idx.msk [tilespmem:v54+s14+$0x0], $0xffff;
	_ =	sdelay $0x4  }
0x1ab: {  	v5 =	vadd.f32 v6, v5;
	_ =	sdelay $0x1  }
0x1ac: {  	v5 =	vadd.f32 v5, v4;
	_ =	sdelay $0x1  }
0x1ad: {  	v5 =	vsub.f32 $0.0e+00, v5;
	_ =	sdelay $0x1  }
0x1ae: {  	v5 =	vmul.f32 $1.442695020e+00, v5;
	_ =	sdelay $0x1  }
0x1af: {  	(erf) = vpow2.f32 v5;
	_ =	sdelay $0x8  }
0x1b0: {  	v5 =	vpop (erf)  }
0x1b1: {  	v5 =	vadd.f32 $1.000000000e+00, v5;
	_ =	sdelay $0x1  }
0x1b2: {  	(erf) = vrcp.f32 v5;
	_ =	sdelay $0x2  }
0x1b3: {  	v5 =	vld [tilespmem:$0x3C0]  }
0x1b4: {  	v56 =	vld [tilespmem:$0x5C0];
	_ =	sdelay $0x4  }
0x1b5: {  	v57 =	vpop (erf)  }
0x1b6: {  	[tilespmem:$0x7B0] =	vst v57  }
0x1b7: {  	v5 =	vld.idx.msk [tilespmem:v5+s13+$0x0], $0xffff  }
0x1b8: {  	v6 =	vld.idx.msk [tilespmem:v56+s14+$0x0], $0xffff;
	_ =	sdelay $0x4  }
0x1b9: {  	v5 =	vadd.f32 v6, v5;
	_ =	sdelay $0x1  }
0x1ba: {  	v5 =	vadd.f32 v5, v4;
	_ =	sdelay $0x1  }
0x1bb: {  	v5 =	vsub.f32 $0.0e+00, v5;
	_ =	sdelay $0x1  }
0x1bc: {  	v5 =	vmul.f32 $1.442695020e+00, v5;
	_ =	sdelay $0x1  }
0x1bd: {  	(erf) = vpow2.f32 v5;
	_ =	sdelay $0x8  }
0x1be: {  	v5 =	vpop (erf)  }
0x1bf: {  	v5 =	vadd.f32 $1.000000000e+00, v5;
	_ =	sdelay $0x1  }
0x1c0: {  	(erf) = vrcp.f32 v5;
	_ =	sdelay $0x2  }
0x1c1: {  	v5 =	vld [tilespmem:$0x3D0]  }
0x1c2: {  	v58 =	vld [tilespmem:$0x5D0];
	_ =	sdelay $0x4  }
0x1c3: {  	v59 =	vpop (erf)  }
0x1c4: {  	[tilespmem:$0x7C0] =	vst v59  }
0x1c5: {  	v5 =	vld.idx.msk [tilespmem:v5+s13+$0x0], $0xffff  }
0x1c6: {  	v6 =	vld.idx.msk [tilespmem:v58+s14+$0x0], $0xffff;
	_ =	sdelay $0x4  }
0x1c7: {  	v5 =	vadd.f32 v6, v5;
	_ =	sdelay $0x1  }
0x1c8: {  	v5 =	vadd.f32 v5, v4;
	_ =	sdelay $0x1  }
0x1c9: {  	v5 =	vsub.f32 $0.0e+00, v5;
	_ =	sdelay $0x1  }
0x1ca: {  	v5 =	vmul.f32 $1.442695020e+00, v5;
	_ =	sdelay $0x1  }
0x1cb: {  	(erf) = vpow2.f32 v5;
	_ =	sdelay $0x8  }
0x1cc: {  	v5 =	vpop (erf)  }
0x1cd: {  	v5 =	vadd.f32 $1.000000000e+00, v5;
	_ =	sdelay $0x1  }
0x1ce: {  	(erf) = vrcp.f32 v5;
	_ =	sdelay $0x2  }
0x1cf: {  	v5 =	vld [tilespmem:$0x3E0]  }
0x1d0: {  	v60 =	vld [tilespmem:$0x5E0];
	_ =	sdelay $0x4  }
0x1d1: {  	v61 =	vpop (erf)  }
0x1d2: {  	[tilespmem:$0x7D0] =	vst v61  }
0x1d3: {  	v5 =	vld.idx.msk [tilespmem:v5+s13+$0x0], $0xffff  }
0x1d4: {  	v6 =	vld.idx.msk [tilespmem:v60+s14+$0x0], $0xffff;
	_ =	sdelay $0x4  }
0x1d5: {  	v5 =	vadd.f32 v6, v5;
	_ =	sdelay $0x1  }
0x1d6: {  	v5 =	vadd.f32 v5, v4;
	_ =	sdelay $0x1  }
0x1d7: {  	v5 =	vsub.f32 $0.0e+00, v5;
	_ =	sdelay $0x1  }
0x1d8: {  	v5 =	vmul.f32 $1.442695020e+00, v5;
	_ =	sdelay $0x1  }
0x1d9: {  	(erf) = vpow2.f32 v5;
	_ =	sdelay $0x8  }
0x1da: {  	v5 =	vpop (erf)  }
0x1db: {  	v5 =	vadd.f32 $1.000000000e+00, v5;
	_ =	sdelay $0x1  }
0x1dc: {  	(erf) = vrcp.f32 v5;
	_ =	sdelay $0x2  }
0x1dd: {  	v5 =	vld [tilespmem:$0x3F0]  }
0x1de: {  	v62 =	vld [tilespmem:$0x5F0];
	_ =	sdelay $0x4  }
0x1df: {  	v63 =	vpop (erf)  }
0x1e0: {  	[tilespmem:$0x7E0] =	vst v63  }
0x1e1: {  	v5 =	vld.idx.msk [tilespmem:v5+s13+$0x0], $0xffff  }
0x1e2: {  	v6 =	vld.idx.msk [tilespmem:v62+s14+$0x0], $0xffff;
	_ =	sdelay $0x4  }
0x1e3: {  	v5 =	vadd.f32 v6, v5;
	_ =	sdelay $0x1  }
0x1e4: {  	v4 =	vadd.f32 v5, v4;
	_ =	sdelay $0x1  }
0x1e5: {  	v4 =	vsub.f32 $0.0e+00, v4;
	_ =	sdelay $0x1  }
0x1e6: {  	v4 =	vmul.f32 $1.442695020e+00, v4;
	_ =	sdelay $0x1  }
0x1e7: {  	(erf) = vpow2.f32 v4;
	_ =	sdelay $0x8  }
0x1e8: {  	v4 =	vpop (erf)  }
0x1e9: {  	v4 =	vadd.f32 $1.000000000e+00, v4;
	_ =	sdelay $0x1  }
0x1ea: {  	(erf) = vrcp.f32 v4;
	_ =	sdelay $0x8  }
0x1eb: {  	p0 =	sne.s32 s8, $0x1;
	v4 =	vpop (erf)  }
.Ltmp0:
0x1ec: {  	[tilespmem:$0x7F0] =	vst v4;
	(pc) =	sbr.rel @p0 .LBB2_1-.Ltmp0, $4  }
0x1ed: {  	[hbm4b:s7+s1] =	stream.linear.scatter [tilespmem:s15], [sflag:$0x1], $0x200, $0x38;
	[tilespmem:$0x800] =	vst v63  }
0x1ee: {  	_ =	swait.ge [sflag:s9], $0x200  }
0x1ef: {  	[sflag:s9] =	ssyncset.done $0x0  }
0x1f0: {  	s8 =	sadd.s32 $0xFFFFFFFF, s8;
	[sflag:s9] =	ssyncadd.s32 $0xFFFFFE00  }
0x1f1: {  	_ =	sfence.sel $0x180000  }
0x1f2: {  	[bflag:$0x0] =	sbarrier.arrive $0xFFFF  }
0x1f3: {  	p0 =	sne.s32 s2, $0x0;
	_ =	strace $0x90000047  }
0x1f4: {  	s0 =	sadd.s32 @!p0 $0x100000, s0;
	[bflag:$0x2] =	sbarrier.arrive $0xFFFF  }
0x1f5: {  	[sflag:s0] =	ssyncadd.tile.s32 @!p0 $0x1;
	_ =	shalt  }
.Lfunc_end2:
_tile_overlayer_lowered:
.L_overlay_start_2:
0x1f6: {  	(tag) =	ssettag $0x2  }
0x1f7: {  	s0 =	rddreg [dreg:$0x0];
	s2 =	stileid.u32  }
0x1f8: {  	s1 =	rddreg [dreg:$0x1];
	p0 =	sne.s32 s2, $0x0  }
0x1f9: {  	s3 =	rddreg [dreg:$0x2];
	[bflag:$0x3] =	sbarrier.arrive $0xFFFF;
	s2 =	simm.s32 @!p0 $0x1C01  }
0x1fa: {  	[timem:s3], [sflag:s2] =	dma.local @!p0 [hbm:s0], s1  }
0x1fb: {  	s0 =	simm.s32 @!p0 $0x1  }
0x1fc: {  	_ =	swait.ge @!p0 [sflag:s0], s1  }
0x1fd: {  	s1 =	ssub.s32 @!p0 $0x0, s1;
	[sflag:s0] =	ssyncset.done @!p0 $0x0  }
0x1fe: {  	[sflag:s0] =	ssyncadd.s32 @!p0 s1  }
0x1ff: {  	[bflag:$0x3] =	sbarrier.arrive $0xFFFF  }
0x200: {  	_ =	shalt  }

</sc_bundles>
